<compile_context>
chip_gen: v7x
topology: tpu7x:2x2x1
jax: 0.10.2.dev20260603
libtpu: 0.0.44.dev20260713+nightly
codegen_flags: <defaults>
</compile_context>

<pallas_src>
import functools

import jax
import jax.numpy as jnp
from jax import lax
from jax.experimental import pallas as pl
from jax.experimental.pallas import tpu as pltpu
from jax.experimental.pallas import tpu_sc as plsc

CHUNK = 8
PAIR = 2
NBUF = 8


@functools.lru_cache(maxsize=None)
def _build(batch: int, seq: int, d_model: int):
    info = plsc.get_sparse_core_info()
    nc, ns = info.num_cores, info.num_subcores
    nw = nc * ns
    n_tokens = batch * seq
    assert n_tokens % (nw * CHUNK) == 0 and seq % CHUNK == 0
    bpw = n_tokens // nw
    wpr = seq // bpw
    nchunks = bpw // CHUNK
    npairs = NBUF // PAIR
    assert nchunks % NBUF == 0
    mesh = plsc.VectorSubcoreMesh(core_axis_name="c", subcore_axis_name="s")

    @functools.partial(
        pl.kernel,
        mesh=mesh,
        out_type=jax.ShapeDtypeStruct((n_tokens, d_model), jnp.float32),
        scratch_types=(
            [pltpu.VMEM((bpw,), jnp.int32),
             pltpu.VMEM((NBUF * CHUNK, d_model), jnp.float32)]
            + [pltpu.SemaphoreType.DMA for _ in range(NBUF + npairs)]
        ),
    )
    def emb(table_hbm, idx_hbm, out_hbm, idx_v, big, *sems):
        gsems = sems[:NBUF]
        psems = sems[NBUF:]
        wid = lax.axis_index("s") * nc + lax.axis_index("c")
        base = wid * bpw
        pltpu.sync_copy(
            idx_hbm.at[wid // wpr, pl.ds((wid % wpr) * bpw, bpw)], idx_v)

        def start_gather(g, b):
            off = pl.multiple_of(g * CHUNK, CHUNK)
            pltpu.async_copy(
                table_hbm.at[idx_v.at[pl.ds(off, CHUNK)]],
                big.at[pl.ds(b * CHUNK, CHUNK)], gsems[b])

        def wait_gather(b):
            pltpu.make_async_copy(
                table_hbm.at[idx_v.at[pl.ds(0, CHUNK)]],
                big.at[pl.ds(0, CHUNK)], gsems[b]).wait()

        def start_store(g, p):
            off = pl.multiple_of(base + g * CHUNK, CHUNK)
            pltpu.async_copy(
                big.at[pl.ds(p * PAIR * CHUNK, PAIR * CHUNK)],
                out_hbm.at[pl.ds(off, PAIR * CHUNK)], psems[p])

        def wait_store(p):
            pltpu.make_async_copy(
                big.at[pl.ds(0, PAIR * CHUNK)],
                out_hbm.at[pl.ds(0, PAIR * CHUNK)], psems[p]).wait()

        for b in range(NBUF):
            start_gather(b, b)

        def body(o, _):
            g0 = o * NBUF
            for p in range(npairs):
                g = g0 + p * PAIR
                for j in range(PAIR):
                    wait_gather(p * PAIR + j)
                start_store(g, p)
                ng = g + NBUF

                @pl.when(ng < nchunks)
                def _():
                    wait_store(p)
                    for j in range(PAIR):
                        start_gather(ng + j, p * PAIR + j)

            return 0

        lax.fori_loop(0, nchunks // NBUF, body, 0)
        for p in range(npairs):
            wait_store(p)

    return emb


def kernel(token_ids, weight):
    batch, seq = token_ids.shape
    out = _build(batch, seq, weight.shape[1])(
        weight, token_ids.astype(jnp.int32))
    return out.reshape(batch, seq, weight.shape[1])

# --- scband reference (transcript-rebuilt; emitter-appended) ---
"""Pipeline reference for scband-token-embedding-49581102465042 (READ-ONLY COPY).

The authoritative reference and input builder live on the scoring server;
editing this copy changes nothing except your own understanding.
"""

import jax, jax.numpy as jnp
import numpy as np

VOCAB_SIZE = 100000
D_MODEL = 1024
BATCH = 4
SEQ_LEN = 4096


def setup_inputs(seed: int = 0) -> dict:
    key = jax.random.key(seed)
    k_ids, k_w = jax.random.split(key)
    token_ids = jax.random.randint(k_ids, (BATCH, SEQ_LEN), 0, VOCAB_SIZE, dtype=jnp.int64 if jax.config.jax_enable_x64 else jnp.int32)
    weight = jax.random.normal(k_w, (VOCAB_SIZE, D_MODEL), dtype=jnp.float32) * 0.02
    return {"token_ids": token_ids, "weight": weight}


def reference(token_ids, weight):
    # nn.Embedding forward: row gather from the embedding table
    return jnp.take(weight, token_ids, axis=0)

if __name__ == "__main__":
    import jax
    _d = setup_inputs()
    print(jax.jit(kernel)(*tuple(_d.values())))

</pallas_src>

<mosaic_0001>
#map = affine_map<(d0, d1) -> (0, 0)>
module attributes {stable_mosaic.version = 14 : i64} {
  func.func @emb(%arg0: i32, %arg1: i32, %arg2: memref<100000x1024xf32, #tpu.memory_space<hbm>>, %arg3: memref<4x4096xi32, #tpu.memory_space<hbm>>, %arg4: memref<16384x1024xf32, #tpu.memory_space<hbm>>, %arg5: memref<512xi32, #tpu.memory_space<vmem>>, %arg6: memref<64x1024xf32, #tpu.memory_space<vmem>>, %arg7: memref<!tpu.dma_semaphore, #tpu.memory_space<semaphore_mem>>, %arg8: memref<!tpu.dma_semaphore, #tpu.memory_space<semaphore_mem>>, %arg9: memref<!tpu.dma_semaphore, #tpu.memory_space<semaphore_mem>>, %arg10: memref<!tpu.dma_semaphore, #tpu.memory_space<semaphore_mem>>, %arg11: memref<!tpu.dma_semaphore, #tpu.memory_space<semaphore_mem>>, %arg12: memref<!tpu.dma_semaphore, #tpu.memory_space<semaphore_mem>>, %arg13: memref<!tpu.dma_semaphore, #tpu.memory_space<semaphore_mem>>, %arg14: memref<!tpu.dma_semaphore, #tpu.memory_space<semaphore_mem>>, %arg15: memref<!tpu.dma_semaphore, #tpu.memory_space<semaphore_mem>>, %arg16: memref<!tpu.dma_semaphore, #tpu.memory_space<semaphore_mem>>, %arg17: memref<!tpu.dma_semaphore, #tpu.memory_space<semaphore_mem>>, %arg18: memref<!tpu.dma_semaphore, #tpu.memory_space<semaphore_mem>>) attributes {dimension_semantics = [#tpu.dimension_semantics<core_parallel>, #tpu.dimension_semantics<subcore_parallel>], iteration_bounds = array<i64: 2, 16>, scalar_prefetch = 0 : i64, scratch_operands = 14 : i64, tpu.core_type = #tpu.core_type<sc_vector_subcore>, window_params = [{transform_indices = #map}, {transform_indices = #map}, {transform_indices = #map}]} {
    %mul3A = arith.constant 2 : i32
    %mul3A_0 = arith.muli %arg1, %mul3A : i32
    %add3A = arith.addi %mul3A_0, %arg0 : i32
    %mul3A_1 = arith.constant 512 : i32
    %mul3A_2 = arith.muli %add3A, %mul3A_1 : i32
    %jit3A = arith.constant 8 : i32
    %div3A = arith.divsi %add3A, %jit3A : i32
    %sign3A = arith.constant 0 : i32
    %sign3A_3 = arith.cmpi sgt, %add3A, %sign3A : i32
    %sign3A_4 = arith.extui %sign3A_3 : i1 to i32
    %sign3A_5 = arith.constant 0 : i32
    %sign3A_6 = arith.cmpi slt, %add3A, %sign3A_5 : i32
    %sign3A_7 = arith.extui %sign3A_6 : i1 to i32
    %sign3A_8 = arith.subi %sign3A_4, %sign3A_7 : i32
    %sign3A_9 = arith.constant 0 : i32
    %sign3A_10 = arith.cmpi sgt, %jit3A, %sign3A_9 : i32
    %sign3A_11 = arith.extui %sign3A_10 : i1 to i32
    %sign3A_12 = arith.constant 0 : i32
    %sign3A_13 = arith.cmpi slt, %jit3A, %sign3A_12 : i32
    %sign3A_14 = arith.extui %sign3A_13 : i1 to i32
    %sign3A_15 = arith.subi %sign3A_11, %sign3A_14 : i32
    %ne3A = arith.cmpi ne, %sign3A_8, %sign3A_15 : i32
    %rem3A = arith.remsi %add3A, %jit3A : i32
    %ne3A_16 = arith.constant 0 : i32
    %ne3A_17 = arith.cmpi ne, %rem3A, %ne3A_16 : i32
    %and3A = arith.andi %ne3A, %ne3A_17 : i1
    %sub3A = arith.constant 1 : i32
    %sub3A_18 = arith.subi %div3A, %sub3A : i32
    %select_n3A = arith.select %and3A, %sub3A_18, %div3A : i32
    %jit3A_19 = arith.constant 8 : i32
    %eq3A = arith.constant 0 : i32
    %eq3A_20 = arith.cmpi eq, %jit3A_19, %eq3A : i32
    %jit3A_21 = arith.constant 1 : i32
    %select_n3A_22 = arith.select %eq3A_20, %jit3A_21, %jit3A_19 : i32
    %rem3A_23 = arith.remsi %add3A, %select_n3A_22 : i32
    %ne3A_24 = arith.constant 0 : i32
    %ne3A_25 = arith.cmpi ne, %rem3A_23, %ne3A_24 : i32
    %lt3A = arith.constant 0 : i32
    %lt3A_26 = arith.cmpi slt, %rem3A_23, %lt3A : i32
    %lt3A_27 = arith.constant 0 : i32
    %lt3A_28 = arith.cmpi slt, %select_n3A_22, %lt3A_27 : i32
    %ne3A_29 = arith.xori %lt3A_26, %lt3A_28 : i1
    %and3A_30 = arith.andi %ne3A_29, %ne3A_25 : i1
    %add3A_31 = arith.addi %rem3A_23, %select_n3A_22 : i32
    %select_n3A_32 = arith.select %and3A_30, %add3A_31, %rem3A_23 : i32
    %mul3A_33 = arith.constant 512 : i32
    %mul3A_34 = arith.muli %select_n3A_32, %mul3A_33 : i32
    "tpu.region"() ({
      %run_scoped3A = tpu.sem_alloc : memref<!tpu.dma_semaphore, #tpu.memory_space<semaphore_mem>>
      %dma_start3A_158 = tpu.memref_slice %arg3[%select_n3A, %mul3A_34] : memref<4x4096xi32, #tpu.memory_space<hbm>> -> memref<1x512xi32, #tpu.memory_space<hbm>>
      %dma_start3A_159 = tpu.memref_squeeze %dma_start3A_158 : memref<1x512xi32, #tpu.memory_space<hbm>> -> memref<512xi32, #tpu.memory_space<hbm>>
      %dma_start3A_160 = tpu.memref_slice %arg3[%select_n3A, %mul3A_34] : memref<4x4096xi32, #tpu.memory_space<hbm>> -> memref<1x512xi32, #tpu.memory_space<hbm>>
      %dma_start3A_161 = tpu.memref_squeeze %dma_start3A_160 : memref<1x512xi32, #tpu.memory_space<hbm>> -> memref<512xi32, #tpu.memory_space<hbm>>
      tpu.enqueue_dma source(%dma_start3A_161 : memref<512xi32, #tpu.memory_space<hbm>>) target(%arg5 : memref<512xi32, #tpu.memory_space<vmem>>) target_semaphore(%run_scoped3A : memref<!tpu.dma_semaphore, #tpu.memory_space<semaphore_mem>>)
      %dma_wait3A_162 = tpu.memref_slice %arg3[%select_n3A, %mul3A_34] : memref<4x4096xi32, #tpu.memory_space<hbm>> -> memref<1x512xi32, #tpu.memory_space<hbm>>
      %dma_wait3A_163 = tpu.memref_squeeze %dma_wait3A_162 : memref<1x512xi32, #tpu.memory_space<hbm>> -> memref<512xi32, #tpu.memory_space<hbm>>
      %dma_wait3A_164 = tpu.memref_slice %arg3[%select_n3A, %mul3A_34] : memref<4x4096xi32, #tpu.memory_space<hbm>> -> memref<1x512xi32, #tpu.memory_space<hbm>>
      %dma_wait3A_165 = tpu.memref_squeeze %dma_wait3A_164 : memref<1x512xi32, #tpu.memory_space<hbm>> -> memref<512xi32, #tpu.memory_space<hbm>>
      tpu.wait_dma2 semaphore(%run_scoped3A : memref<!tpu.dma_semaphore, #tpu.memory_space<semaphore_mem>>) src(%dma_wait3A_165 : memref<512xi32, #tpu.memory_space<hbm>>) dst(%arg5 : memref<512xi32, #tpu.memory_space<vmem>>)
      tpu.yield
    }) : () -> ()
    %multiple_of3A = arith.constant 0 : i32
    %multiple_of3A_35 = tpu.assume_multiple %multiple_of3A, 8 : i32
    %dma_start3A = arith.constant 0 : i32
    %dma_start3A_36 = arith.constant 0 : i32
    %dma_start3A_37 = tpu.memref_slice %arg6[%dma_start3A, %dma_start3A_36] : memref<64x1024xf32, #tpu.memory_space<vmem>> -> memref<8x1024xf32, #tpu.memory_space<vmem>>
    %dma_start3A_38 = tpu.memref_slice %arg5[%multiple_of3A_35] : memref<512xi32, #tpu.memory_space<vmem>> -> memref<8xi32, #tpu.memory_space<vmem>>
    %dma_start3A_39 = arith.constant 0 : i32
    %dma_start3A_40 = arith.constant 0 : i32
    %dma_start3A_41 = tpu.memref_slice %arg2[%dma_start3A_39, %dma_start3A_40] : memref<100000x1024xf32, #tpu.memory_space<hbm>> -> memref<100000x1024xf32, #tpu.memory_space<hbm>>
    tpu.enqueue_indirect_dma source(%dma_start3A_41 : memref<100000x1024xf32, #tpu.memory_space<hbm>>) target(%dma_start3A_37 : memref<8x1024xf32, #tpu.memory_space<vmem>>) offsets(%dma_start3A_38 : memref<8xi32, #tpu.memory_space<vmem>>) semaphore(%arg7 : memref<!tpu.dma_semaphore, #tpu.memory_space<semaphore_mem>>)
    %multiple_of3A_42 = arith.constant 8 : i32
    %multiple_of3A_43 = tpu.assume_multiple %multiple_of3A_42, 8 : i32
    %dma_start3A_44 = arith.constant 8 : i32
    %dma_start3A_45 = arith.constant 0 : i32
    %dma_start3A_46 = tpu.memref_slice %arg6[%dma_start3A_44, %dma_start3A_45] : memref<64x1024xf32, #tpu.memory_space<vmem>> -> memref<8x1024xf32, #tpu.memory_space<vmem>>
    %dma_start3A_47 = tpu.memref_slice %arg5[%multiple_of3A_43] : memref<512xi32, #tpu.memory_space<vmem>> -> memref<8xi32, #tpu.memory_space<vmem>>
    %dma_start3A_48 = arith.constant 0 : i32
    %dma_start3A_49 = arith.constant 0 : i32
    %dma_start3A_50 = tpu.memref_slice %arg2[%dma_start3A_48, %dma_start3A_49] : memref<100000x1024xf32, #tpu.memory_space<hbm>> -> memref<100000x1024xf32, #tpu.memory_space<hbm>>
    tpu.enqueue_indirect_dma source(%dma_start3A_50 : memref<100000x1024xf32, #tpu.memory_space<hbm>>) target(%dma_start3A_46 : memref<8x1024xf32, #tpu.memory_space<vmem>>) offsets(%dma_start3A_47 : memref<8xi32, #tpu.memory_space<vmem>>) semaphore(%arg8 : memref<!tpu.dma_semaphore, #tpu.memory_space<semaphore_mem>>)
    %multiple_of3A_51 = arith.constant 16 : i32
    %multiple_of3A_52 = tpu.assume_multiple %multiple_of3A_51, 8 : i32
    %dma_start3A_53 = arith.constant 16 : i32
    %dma_start3A_54 = arith.constant 0 : i32
    %dma_start3A_55 = tpu.memref_slice %arg6[%dma_start3A_53, %dma_start3A_54] : memref<64x1024xf32, #tpu.memory_space<vmem>> -> memref<8x1024xf32, #tpu.memory_space<vmem>>
    %dma_start3A_56 = tpu.memref_slice %arg5[%multiple_of3A_52] : memref<512xi32, #tpu.memory_space<vmem>> -> memref<8xi32, #tpu.memory_space<vmem>>
    %dma_start3A_57 = arith.constant 0 : i32
    %dma_start3A_58 = arith.constant 0 : i32
    %dma_start3A_59 = tpu.memref_slice %arg2[%dma_start3A_57, %dma_start3A_58] : memref<100000x1024xf32, #tpu.memory_space<hbm>> -> memref<100000x1024xf32, #tpu.memory_space<hbm>>
    tpu.enqueue_indirect_dma source(%dma_start3A_59 : memref<100000x1024xf32, #tpu.memory_space<hbm>>) target(%dma_start3A_55 : memref<8x1024xf32, #tpu.memory_space<vmem>>) offsets(%dma_start3A_56 : memref<8xi32, #tpu.memory_space<vmem>>) semaphore(%arg9 : memref<!tpu.dma_semaphore, #tpu.memory_space<semaphore_mem>>)
    %multiple_of3A_60 = arith.constant 24 : i32
    %multiple_of3A_61 = tpu.assume_multiple %multiple_of3A_60, 8 : i32
    %dma_start3A_62 = arith.constant 24 : i32
    %dma_start3A_63 = arith.constant 0 : i32
    %dma_start3A_64 = tpu.memref_slice %arg6[%dma_start3A_62, %dma_start3A_63] : memref<64x1024xf32, #tpu.memory_space<vmem>> -> memref<8x1024xf32, #tpu.memory_space<vmem>>
    %dma_start3A_65 = tpu.memref_slice %arg5[%multiple_of3A_61] : memref<512xi32, #tpu.memory_space<vmem>> -> memref<8xi32, #tpu.memory_space<vmem>>
    %dma_start3A_66 = arith.constant 0 : i32
    %dma_start3A_67 = arith.constant 0 : i32
    %dma_start3A_68 = tpu.memref_slice %arg2[%dma_start3A_66, %dma_start3A_67] : memref<100000x1024xf32, #tpu.memory_space<hbm>> -> memref<100000x1024xf32, #tpu.memory_space<hbm>>
    tpu.enqueue_indirect_dma source(%dma_start3A_68 : memref<100000x1024xf32, #tpu.memory_space<hbm>>) target(%dma_start3A_64 : memref<8x1024xf32, #tpu.memory_space<vmem>>) offsets(%dma_start3A_65 : memref<8xi32, #tpu.memory_space<vmem>>) semaphore(%arg10 : memref<!tpu.dma_semaphore, #tpu.memory_space<semaphore_mem>>)
    %multiple_of3A_69 = arith.constant 32 : i32
    %multiple_of3A_70 = tpu.assume_multiple %multiple_of3A_69, 8 : i32
    %dma_start3A_71 = arith.constant 32 : i32
    %dma_start3A_72 = arith.constant 0 : i32
    %dma_start3A_73 = tpu.memref_slice %arg6[%dma_start3A_71, %dma_start3A_72] : memref<64x1024xf32, #tpu.memory_space<vmem>> -> memref<8x1024xf32, #tpu.memory_space<vmem>>
    %dma_start3A_74 = tpu.memref_slice %arg5[%multiple_of3A_70] : memref<512xi32, #tpu.memory_space<vmem>> -> memref<8xi32, #tpu.memory_space<vmem>>
    %dma_start3A_75 = arith.constant 0 : i32
    %dma_start3A_76 = arith.constant 0 : i32
    %dma_start3A_77 = tpu.memref_slice %arg2[%dma_start3A_75, %dma_start3A_76] : memref<100000x1024xf32, #tpu.memory_space<hbm>> -> memref<100000x1024xf32, #tpu.memory_space<hbm>>
    tpu.enqueue_indirect_dma source(%dma_start3A_77 : memref<100000x1024xf32, #tpu.memory_space<hbm>>) target(%dma_start3A_73 : memref<8x1024xf32, #tpu.memory_space<vmem>>) offsets(%dma_start3A_74 : memref<8xi32, #tpu.memory_space<vmem>>) semaphore(%arg11 : memref<!tpu.dma_semaphore, #tpu.memory_space<semaphore_mem>>)
    %multiple_of3A_78 = arith.constant 40 : i32
    %multiple_of3A_79 = tpu.assume_multiple %multiple_of3A_78, 8 : i32
    %dma_start3A_80 = arith.constant 40 : i32
    %dma_start3A_81 = arith.constant 0 : i32
    %dma_start3A_82 = tpu.memref_slice %arg6[%dma_start3A_80, %dma_start3A_81] : memref<64x1024xf32, #tpu.memory_space<vmem>> -> memref<8x1024xf32, #tpu.memory_space<vmem>>
    %dma_start3A_83 = tpu.memref_slice %arg5[%multiple_of3A_79] : memref<512xi32, #tpu.memory_space<vmem>> -> memref<8xi32, #tpu.memory_space<vmem>>
    %dma_start3A_84 = arith.constant 0 : i32
    %dma_start3A_85 = arith.constant 0 : i32
    %dma_start3A_86 = tpu.memref_slice %arg2[%dma_start3A_84, %dma_start3A_85] : memref<100000x1024xf32, #tpu.memory_space<hbm>> -> memref<100000x1024xf32, #tpu.memory_space<hbm>>
    tpu.enqueue_indirect_dma source(%dma_start3A_86 : memref<100000x1024xf32, #tpu.memory_space<hbm>>) target(%dma_start3A_82 : memref<8x1024xf32, #tpu.memory_space<vmem>>) offsets(%dma_start3A_83 : memref<8xi32, #tpu.memory_space<vmem>>) semaphore(%arg12 : memref<!tpu.dma_semaphore, #tpu.memory_space<semaphore_mem>>)
    %multiple_of3A_87 = arith.constant 48 : i32
    %multiple_of3A_88 = tpu.assume_multiple %multiple_of3A_87, 8 : i32
    %dma_start3A_89 = arith.constant 48 : i32
    %dma_start3A_90 = arith.constant 0 : i32
    %dma_start3A_91 = tpu.memref_slice %arg6[%dma_start3A_89, %dma_start3A_90] : memref<64x1024xf32, #tpu.memory_space<vmem>> -> memref<8x1024xf32, #tpu.memory_space<vmem>>
    %dma_start3A_92 = tpu.memref_slice %arg5[%multiple_of3A_88] : memref<512xi32, #tpu.memory_space<vmem>> -> memref<8xi32, #tpu.memory_space<vmem>>
    %dma_start3A_93 = arith.constant 0 : i32
    %dma_start3A_94 = arith.constant 0 : i32
    %dma_start3A_95 = tpu.memref_slice %arg2[%dma_start3A_93, %dma_start3A_94] : memref<100000x1024xf32, #tpu.memory_space<hbm>> -> memref<100000x1024xf32, #tpu.memory_space<hbm>>
    tpu.enqueue_indirect_dma source(%dma_start3A_95 : memref<100000x1024xf32, #tpu.memory_space<hbm>>) target(%dma_start3A_91 : memref<8x1024xf32, #tpu.memory_space<vmem>>) offsets(%dma_start3A_92 : memref<8xi32, #tpu.memory_space<vmem>>) semaphore(%arg13 : memref<!tpu.dma_semaphore, #tpu.memory_space<semaphore_mem>>)
    %multiple_of3A_96 = arith.constant 56 : i32
    %multiple_of3A_97 = tpu.assume_multiple %multiple_of3A_96, 8 : i32
    %dma_start3A_98 = arith.constant 56 : i32
    %dma_start3A_99 = arith.constant 0 : i32
    %dma_start3A_100 = tpu.memref_slice %arg6[%dma_start3A_98, %dma_start3A_99] : memref<64x1024xf32, #tpu.memory_space<vmem>> -> memref<8x1024xf32, #tpu.memory_space<vmem>>
    %dma_start3A_101 = tpu.memref_slice %arg5[%multiple_of3A_97] : memref<512xi32, #tpu.memory_space<vmem>> -> memref<8xi32, #tpu.memory_space<vmem>>
    %dma_start3A_102 = arith.constant 0 : i32
    %dma_start3A_103 = arith.constant 0 : i32
    %dma_start3A_104 = tpu.memref_slice %arg2[%dma_start3A_102, %dma_start3A_103] : memref<100000x1024xf32, #tpu.memory_space<hbm>> -> memref<100000x1024xf32, #tpu.memory_space<hbm>>
    tpu.enqueue_indirect_dma source(%dma_start3A_104 : memref<100000x1024xf32, #tpu.memory_space<hbm>>) target(%dma_start3A_100 : memref<8x1024xf32, #tpu.memory_space<vmem>>) offsets(%dma_start3A_101 : memref<8xi32, #tpu.memory_space<vmem>>) semaphore(%arg14 : memref<!tpu.dma_semaphore, #tpu.memory_space<semaphore_mem>>)
    %scan3A = arith.constant 0 : i32
    %scan3A_105 = arith.constant 0 : i32
    %scan3A_106 = arith.constant 8 : i32
    %scan3A_107 = arith.addi %scan3A_105, %scan3A_106 : i32
    %scan3A_108 = arith.constant 1 : i32
    %scan3A_109 = scf.for %scan3A_158 = %scan3A_105 to %scan3A_107 step %scan3A_108 iter_args(%scan3A_159 = %scan3A) -> (i32)  : i32 {
      %mul3A_160 = arith.constant 8 : i32
      %mul3A_161 = arith.muli %scan3A_158, %mul3A_160 : i32
      %add3A_162 = arith.constant 0 : i32
      %add3A_163 = arith.addi %mul3A_161, %add3A_162 : i32
      %dma_wait3A_164 = arith.constant 0 : i32
      %dma_wait3A_165 = arith.constant 0 : i32
      %dma_wait3A_166 = tpu.memref_slice %arg6[%dma_wait3A_164, %dma_wait3A_165] : memref<64x1024xf32, #tpu.memory_space<vmem>> -> memref<8x1024xf32, #tpu.memory_space<vmem>>
      %dma_wait3A_167 = arith.constant 0 : i32
      %dma_wait3A_168 = tpu.memref_slice %arg5[%dma_wait3A_167] : memref<512xi32, #tpu.memory_space<vmem>> -> memref<8xi32, #tpu.memory_space<vmem>>
      %dma_wait3A_169 = arith.constant 0 : i32
      %dma_wait3A_170 = arith.constant 0 : i32
      %dma_wait3A_171 = tpu.memref_slice %arg2[%dma_wait3A_169, %dma_wait3A_170] : memref<100000x1024xf32, #tpu.memory_space<hbm>> -> memref<100000x1024xf32, #tpu.memory_space<hbm>>
      tpu.wait_indirect_dma semaphore(%arg7 : memref<!tpu.dma_semaphore, #tpu.memory_space<semaphore_mem>>) src(%dma_wait3A_171 : memref<100000x1024xf32, #tpu.memory_space<hbm>>) dst(%dma_wait3A_166 : memref<8x1024xf32, #tpu.memory_space<vmem>>)
      %dma_wait3A_172 = arith.constant 0 : i32
      %dma_wait3A_173 = arith.constant 0 : i32
      %dma_wait3A_174 = tpu.memref_slice %arg6[%dma_wait3A_172, %dma_wait3A_173] : memref<64x1024xf32, #tpu.memory_space<vmem>> -> memref<8x1024xf32, #tpu.memory_space<vmem>>
      %dma_wait3A_175 = arith.constant 0 : i32
      %dma_wait3A_176 = tpu.memref_slice %arg5[%dma_wait3A_175] : memref<512xi32, #tpu.memory_space<vmem>> -> memref<8xi32, #tpu.memory_space<vmem>>
      %dma_wait3A_177 = arith.constant 0 : i32
      %dma_wait3A_178 = arith.constant 0 : i32
      %dma_wait3A_179 = tpu.memref_slice %arg2[%dma_wait3A_177, %dma_wait3A_178] : memref<100000x1024xf32, #tpu.memory_space<hbm>> -> memref<100000x1024xf32, #tpu.memory_space<hbm>>
      tpu.wait_indirect_dma semaphore(%arg8 : memref<!tpu.dma_semaphore, #tpu.memory_space<semaphore_mem>>) src(%dma_wait3A_179 : memref<100000x1024xf32, #tpu.memory_space<hbm>>) dst(%dma_wait3A_174 : memref<8x1024xf32, #tpu.memory_space<vmem>>)
      %mul3A_180 = arith.constant 8 : i32
      %mul3A_181 = arith.muli %add3A_163, %mul3A_180 : i32
      %add3A_182 = arith.addi %mul3A_2, %mul3A_181 : i32
      %multiple_of3A_183 = tpu.assume_multiple %add3A_182, 8 : i32
      %dma_start3A_184 = arith.constant 0 : i32
      %dma_start3A_185 = arith.constant 0 : i32
      %dma_start3A_186 = tpu.memref_slice %arg6[%dma_start3A_184, %dma_start3A_185] : memref<64x1024xf32, #tpu.memory_space<vmem>> -> memref<16x1024xf32, #tpu.memory_space<vmem>>
      %dma_start3A_187 = arith.constant 0 : i32
      %dma_start3A_188 = tpu.memref_slice %arg4[%multiple_of3A_183, %dma_start3A_187] : memref<16384x1024xf32, #tpu.memory_space<hbm>> -> memref<16x1024xf32, #tpu.memory_space<hbm>>
      %dma_start3A_189 = arith.constant 0 : i32
      %dma_start3A_190 = tpu.memref_slice %arg4[%multiple_of3A_183, %dma_start3A_189] : memref<16384x1024xf32, #tpu.memory_space<hbm>> -> memref<16x1024xf32, #tpu.memory_space<hbm>>
      %dma_start3A_191 = arith.constant 0 : i32
      %dma_start3A_192 = arith.constant 0 : i32
      %dma_start3A_193 = tpu.memref_slice %arg6[%dma_start3A_191, %dma_start3A_192] : memref<64x1024xf32, #tpu.memory_space<vmem>> -> memref<16x1024xf32, #tpu.memory_space<vmem>>
      tpu.enqueue_dma source(%dma_start3A_193 : memref<16x1024xf32, #tpu.memory_space<vmem>>) target(%dma_start3A_190 : memref<16x1024xf32, #tpu.memory_space<hbm>>) target_semaphore(%arg15 : memref<!tpu.dma_semaphore, #tpu.memory_space<semaphore_mem>>)
      %add3A_194 = arith.constant 8 : i32
      %add3A_195 = arith.addi %add3A_163, %add3A_194 : i32
      %lt3A_196 = arith.constant 64 : i32
      %lt3A_197 = arith.cmpi slt, %add3A_195, %lt3A_196 : i32
      %convert_element_type3A = arith.extui %lt3A_197 : i1 to i32
      %cond3A = arith.constant 0 : i32
      %cond3A_198 = arith.cmpi ne, %convert_element_type3A, %cond3A : i32
      scf.if %cond3A_198 {
        %dma_wait3A_317 = arith.constant 0 : i32
        %dma_wait3A_318 = arith.constant 0 : i32
        %dma_wait3A_319 = tpu.memref_slice %arg6[%dma_wait3A_317, %dma_wait3A_318] : memref<64x1024xf32, #tpu.memory_space<vmem>> -> memref<16x1024xf32, #tpu.memory_space<vmem>>
        %dma_wait3A_320 = arith.constant 0 : i32
        %dma_wait3A_321 = arith.constant 0 : i32
        %dma_wait3A_322 = tpu.memref_slice %arg4[%dma_wait3A_320, %dma_wait3A_321] : memref<16384x1024xf32, #tpu.memory_space<hbm>> -> memref<16x1024xf32, #tpu.memory_space<hbm>>
        %dma_wait3A_323 = arith.constant 0 : i32
        %dma_wait3A_324 = arith.constant 0 : i32
        %dma_wait3A_325 = tpu.memref_slice %arg4[%dma_wait3A_323, %dma_wait3A_324] : memref<16384x1024xf32, #tpu.memory_space<hbm>> -> memref<16x1024xf32, #tpu.memory_space<hbm>>
        %dma_wait3A_326 = arith.constant 0 : i32
        %dma_wait3A_327 = arith.constant 0 : i32
        %dma_wait3A_328 = tpu.memref_slice %arg6[%dma_wait3A_326, %dma_wait3A_327] : memref<64x1024xf32, #tpu.memory_space<vmem>> -> memref<16x1024xf32, #tpu.memory_space<vmem>>
        tpu.wait_dma2 semaphore(%arg15 : memref<!tpu.dma_semaphore, #tpu.memory_space<semaphore_mem>>) src(%dma_wait3A_328 : memref<16x1024xf32, #tpu.memory_space<vmem>>) dst(%dma_wait3A_325 : memref<16x1024xf32, #tpu.memory_space<hbm>>)
        %add3A_329 = arith.constant 0 : i32
        %add3A_330 = arith.addi %add3A_195, %add3A_329 : i32
        %mul3A_331 = arith.constant 8 : i32
        %mul3A_332 = arith.muli %add3A_330, %mul3A_331 : i32
        %multiple_of3A_333 = tpu.assume_multiple %mul3A_332, 8 : i32
        %dma_start3A_334 = arith.constant 0 : i32
        %dma_start3A_335 = arith.constant 0 : i32
        %dma_start3A_336 = tpu.memref_slice %arg6[%dma_start3A_334, %dma_start3A_335] : memref<64x1024xf32, #tpu.memory_space<vmem>> -> memref<8x1024xf32, #tpu.memory_space<vmem>>
        %dma_start3A_337 = tpu.memref_slice %arg5[%multiple_of3A_333] : memref<512xi32, #tpu.memory_space<vmem>> -> memref<8xi32, #tpu.memory_space<vmem>>
        %dma_start3A_338 = arith.constant 0 : i32
        %dma_start3A_339 = arith.constant 0 : i32
        %dma_start3A_340 = tpu.memref_slice %arg2[%dma_start3A_338, %dma_start3A_339] : memref<100000x1024xf32, #tpu.memory_space<hbm>> -> memref<100000x1024xf32, #tpu.memory_space<hbm>>
        tpu.enqueue_indirect_dma source(%dma_start3A_340 : memref<100000x1024xf32, #tpu.memory_space<hbm>>) target(%dma_start3A_336 : memref<8x1024xf32, #tpu.memory_space<vmem>>) offsets(%dma_start3A_337 : memref<8xi32, #tpu.memory_space<vmem>>) semaphore(%arg7 : memref<!tpu.dma_semaphore, #tpu.memory_space<semaphore_mem>>)
        %add3A_341 = arith.constant 1 : i32
        %add3A_342 = arith.addi %add3A_195, %add3A_341 : i32
        %mul3A_343 = arith.constant 8 : i32
        %mul3A_344 = arith.muli %add3A_342, %mul3A_343 : i32
        %multiple_of3A_345 = tpu.assume_multiple %mul3A_344, 8 : i32
        %dma_start3A_346 = arith.constant 8 : i32
        %dma_start3A_347 = arith.constant 0 : i32
        %dma_start3A_348 = tpu.memref_slice %arg6[%dma_start3A_346, %dma_start3A_347] : memref<64x1024xf32, #tpu.memory_space<vmem>> -> memref<8x1024xf32, #tpu.memory_space<vmem>>
        %dma_start3A_349 = tpu.memref_slice %arg5[%multiple_of3A_345] : memref<512xi32, #tpu.memory_space<vmem>> -> memref<8xi32, #tpu.memory_space<vmem>>
        %dma_start3A_350 = arith.constant 0 : i32
        %dma_start3A_351 = arith.constant 0 : i32
        %dma_start3A_352 = tpu.memref_slice %arg2[%dma_start3A_350, %dma_start3A_351] : memref<100000x1024xf32, #tpu.memory_space<hbm>> -> memref<100000x1024xf32, #tpu.memory_space<hbm>>
        tpu.enqueue_indirect_dma source(%dma_start3A_352 : memref<100000x1024xf32, #tpu.memory_space<hbm>>) target(%dma_start3A_348 : memref<8x1024xf32, #tpu.memory_space<vmem>>) offsets(%dma_start3A_349 : memref<8xi32, #tpu.memory_space<vmem>>) semaphore(%arg8 : memref<!tpu.dma_semaphore, #tpu.memory_space<semaphore_mem>>)
      } else {
      }
      %add3A_199 = arith.constant 2 : i32
      %add3A_200 = arith.addi %mul3A_161, %add3A_199 : i32
      %dma_wait3A_201 = arith.constant 0 : i32
      %dma_wait3A_202 = arith.constant 0 : i32
      %dma_wait3A_203 = tpu.memref_slice %arg6[%dma_wait3A_201, %dma_wait3A_202] : memref<64x1024xf32, #tpu.memory_space<vmem>> -> memref<8x1024xf32, #tpu.memory_space<vmem>>
      %dma_wait3A_204 = arith.constant 0 : i32
      %dma_wait3A_205 = tpu.memref_slice %arg5[%dma_wait3A_204] : memref<512xi32, #tpu.memory_space<vmem>> -> memref<8xi32, #tpu.memory_space<vmem>>
      %dma_wait3A_206 = arith.constant 0 : i32
      %dma_wait3A_207 = arith.constant 0 : i32
      %dma_wait3A_208 = tpu.memref_slice %arg2[%dma_wait3A_206, %dma_wait3A_207] : memref<100000x1024xf32, #tpu.memory_space<hbm>> -> memref<100000x1024xf32, #tpu.memory_space<hbm>>
      tpu.wait_indirect_dma semaphore(%arg9 : memref<!tpu.dma_semaphore, #tpu.memory_space<semaphore_mem>>) src(%dma_wait3A_208 : memref<100000x1024xf32, #tpu.memory_space<hbm>>) dst(%dma_wait3A_203 : memref<8x1024xf32, #tpu.memory_space<vmem>>)
      %dma_wait3A_209 = arith.constant 0 : i32
      %dma_wait3A_210 = arith.constant 0 : i32
      %dma_wait3A_211 = tpu.memref_slice %arg6[%dma_wait3A_209, %dma_wait3A_210] : memref<64x1024xf32, #tpu.memory_space<vmem>> -> memref<8x1024xf32, #tpu.memory_space<vmem>>
      %dma_wait3A_212 = arith.constant 0 : i32
      %dma_wait3A_213 = tpu.memref_slice %arg5[%dma_wait3A_212] : memref<512xi32, #tpu.memory_space<vmem>> -> memref<8xi32, #tpu.memory_space<vmem>>
      %dma_wait3A_214 = arith.constant 0 : i32
      %dma_wait3A_215 = arith.constant 0 : i32
      %dma_wait3A_216 = tpu.memref_slice %arg2[%dma_wait3A_214, %dma_wait3A_215] : memref<100000x1024xf32, #tpu.memory_space<hbm>> -> memref<100000x1024xf32, #tpu.memory_space<hbm>>
      tpu.wait_indirect_dma semaphore(%arg10 : memref<!tpu.dma_semaphore, #tpu.memory_space<semaphore_mem>>) src(%dma_wait3A_216 : memref<100000x1024xf32, #tpu.memory_space<hbm>>) dst(%dma_wait3A_211 : memref<8x1024xf32, #tpu.memory_space<vmem>>)
      %mul3A_217 = arith.constant 8 : i32
      %mul3A_218 = arith.muli %add3A_200, %mul3A_217 : i32
      %add3A_219 = arith.addi %mul3A_2, %mul3A_218 : i32
      %multiple_of3A_220 = tpu.assume_multiple %add3A_219, 8 : i32
      %dma_start3A_221 = arith.constant 16 : i32
      %dma_start3A_222 = arith.constant 0 : i32
      %dma_start3A_223 = tpu.memref_slice %arg6[%dma_start3A_221, %dma_start3A_222] : memref<64x1024xf32, #tpu.memory_space<vmem>> -> memref<16x1024xf32, #tpu.memory_space<vmem>>
      %dma_start3A_224 = arith.constant 0 : i32
      %dma_start3A_225 = tpu.memref_slice %arg4[%multiple_of3A_220, %dma_start3A_224] : memref<16384x1024xf32, #tpu.memory_space<hbm>> -> memref<16x1024xf32, #tpu.memory_space<hbm>>
      %dma_start3A_226 = arith.constant 0 : i32
      %dma_start3A_227 = tpu.memref_slice %arg4[%multiple_of3A_220, %dma_start3A_226] : memref<16384x1024xf32, #tpu.memory_space<hbm>> -> memref<16x1024xf32, #tpu.memory_space<hbm>>
      %dma_start3A_228 = arith.constant 16 : i32
      %dma_start3A_229 = arith.constant 0 : i32
      %dma_start3A_230 = tpu.memref_slice %arg6[%dma_start3A_228, %dma_start3A_229] : memref<64x1024xf32, #tpu.memory_space<vmem>> -> memref<16x1024xf32, #tpu.memory_space<vmem>>
      tpu.enqueue_dma source(%dma_start3A_230 : memref<16x1024xf32, #tpu.memory_space<vmem>>) target(%dma_start3A_227 : memref<16x1024xf32, #tpu.memory_space<hbm>>) target_semaphore(%arg16 : memref<!tpu.dma_semaphore, #tpu.memory_space<semaphore_mem>>)
      %add3A_231 = arith.constant 8 : i32
      %add3A_232 = arith.addi %add3A_200, %add3A_231 : i32
      %lt3A_233 = arith.constant 64 : i32
      %lt3A_234 = arith.cmpi slt, %add3A_232, %lt3A_233 : i32
      %convert_element_type3A_235 = arith.extui %lt3A_234 : i1 to i32
      %cond3A_236 = arith.constant 0 : i32
      %cond3A_237 = arith.cmpi ne, %convert_element_type3A_235, %cond3A_236 : i32
      scf.if %cond3A_237 {
        %dma_wait3A_317 = arith.constant 0 : i32
        %dma_wait3A_318 = arith.constant 0 : i32
        %dma_wait3A_319 = tpu.memref_slice %arg6[%dma_wait3A_317, %dma_wait3A_318] : memref<64x1024xf32, #tpu.memory_space<vmem>> -> memref<16x1024xf32, #tpu.memory_space<vmem>>
        %dma_wait3A_320 = arith.constant 0 : i32
        %dma_wait3A_321 = arith.constant 0 : i32
        %dma_wait3A_322 = tpu.memref_slice %arg4[%dma_wait3A_320, %dma_wait3A_321] : memref<16384x1024xf32, #tpu.memory_space<hbm>> -> memref<16x1024xf32, #tpu.memory_space<hbm>>
        %dma_wait3A_323 = arith.constant 0 : i32
        %dma_wait3A_324 = arith.constant 0 : i32
        %dma_wait3A_325 = tpu.memref_slice %arg4[%dma_wait3A_323, %dma_wait3A_324] : memref<16384x1024xf32, #tpu.memory_space<hbm>> -> memref<16x1024xf32, #tpu.memory_space<hbm>>
        %dma_wait3A_326 = arith.constant 0 : i32
        %dma_wait3A_327 = arith.constant 0 : i32
        %dma_wait3A_328 = tpu.memref_slice %arg6[%dma_wait3A_326, %dma_wait3A_327] : memref<64x1024xf32, #tpu.memory_space<vmem>> -> memref<16x1024xf32, #tpu.memory_space<vmem>>
        tpu.wait_dma2 semaphore(%arg16 : memref<!tpu.dma_semaphore, #tpu.memory_space<semaphore_mem>>) src(%dma_wait3A_328 : memref<16x1024xf32, #tpu.memory_space<vmem>>) dst(%dma_wait3A_325 : memref<16x1024xf32, #tpu.memory_space<hbm>>)
        %add3A_329 = arith.constant 0 : i32
        %add3A_330 = arith.addi %add3A_232, %add3A_329 : i32
        %mul3A_331 = arith.constant 8 : i32
        %mul3A_332 = arith.muli %add3A_330, %mul3A_331 : i32
        %multiple_of3A_333 = tpu.assume_multiple %mul3A_332, 8 : i32
        %dma_start3A_334 = arith.constant 16 : i32
        %dma_start3A_335 = arith.constant 0 : i32
        %dma_start3A_336 = tpu.memref_slice %arg6[%dma_start3A_334, %dma_start3A_335] : memref<64x1024xf32, #tpu.memory_space<vmem>> -> memref<8x1024xf32, #tpu.memory_space<vmem>>
        %dma_start3A_337 = tpu.memref_slice %arg5[%multiple_of3A_333] : memref<512xi32, #tpu.memory_space<vmem>> -> memref<8xi32, #tpu.memory_space<vmem>>
        %dma_start3A_338 = arith.constant 0 : i32
        %dma_start3A_339 = arith.constant 0 : i32
        %dma_start3A_340 = tpu.memref_slice %arg2[%dma_start3A_338, %dma_start3A_339] : memref<100000x1024xf32, #tpu.memory_space<hbm>> -> memref<100000x1024xf32, #tpu.memory_space<hbm>>
        tpu.enqueue_indirect_dma source(%dma_start3A_340 : memref<100000x1024xf32, #tpu.memory_space<hbm>>) target(%dma_start3A_336 : memref<8x1024xf32, #tpu.memory_space<vmem>>) offsets(%dma_start3A_337 : memref<8xi32, #tpu.memory_space<vmem>>) semaphore(%arg9 : memref<!tpu.dma_semaphore, #tpu.memory_space<semaphore_mem>>)
        %add3A_341 = arith.constant 1 : i32
        %add3A_342 = arith.addi %add3A_232, %add3A_341 : i32
        %mul3A_343 = arith.constant 8 : i32
        %mul3A_344 = arith.muli %add3A_342, %mul3A_343 : i32
        %multiple_of3A_345 = tpu.assume_multiple %mul3A_344, 8 : i32
        %dma_start3A_346 = arith.constant 24 : i32
        %dma_start3A_347 = arith.constant 0 : i32
        %dma_start3A_348 = tpu.memref_slice %arg6[%dma_start3A_346, %dma_start3A_347] : memref<64x1024xf32, #tpu.memory_space<vmem>> -> memref<8x1024xf32, #tpu.memory_space<vmem>>
        %dma_start3A_349 = tpu.memref_slice %arg5[%multiple_of3A_345] : memref<512xi32, #tpu.memory_space<vmem>> -> memref<8xi32, #tpu.memory_space<vmem>>
        %dma_start3A_350 = arith.constant 0 : i32
        %dma_start3A_351 = arith.constant 0 : i32
        %dma_start3A_352 = tpu.memref_slice %arg2[%dma_start3A_350, %dma_start3A_351] : memref<100000x1024xf32, #tpu.memory_space<hbm>> -> memref<100000x1024xf32, #tpu.memory_space<hbm>>
        tpu.enqueue_indirect_dma source(%dma_start3A_352 : memref<100000x1024xf32, #tpu.memory_space<hbm>>) target(%dma_start3A_348 : memref<8x1024xf32, #tpu.memory_space<vmem>>) offsets(%dma_start3A_349 : memref<8xi32, #tpu.memory_space<vmem>>) semaphore(%arg10 : memref<!tpu.dma_semaphore, #tpu.memory_space<semaphore_mem>>)
      } else {
      }
      %add3A_238 = arith.constant 4 : i32
      %add3A_239 = arith.addi %mul3A_161, %add3A_238 : i32
      %dma_wait3A_240 = arith.constant 0 : i32
      %dma_wait3A_241 = arith.constant 0 : i32
      %dma_wait3A_242 = tpu.memref_slice %arg6[%dma_wait3A_240, %dma_wait3A_241] : memref<64x1024xf32, #tpu.memory_space<vmem>> -> memref<8x1024xf32, #tpu.memory_space<vmem>>
      %dma_wait3A_243 = arith.constant 0 : i32
      %dma_wait3A_244 = tpu.memref_slice %arg5[%dma_wait3A_243] : memref<512xi32, #tpu.memory_space<vmem>> -> memref<8xi32, #tpu.memory_space<vmem>>
      %dma_wait3A_245 = arith.constant 0 : i32
      %dma_wait3A_246 = arith.constant 0 : i32
      %dma_wait3A_247 = tpu.memref_slice %arg2[%dma_wait3A_245, %dma_wait3A_246] : memref<100000x1024xf32, #tpu.memory_space<hbm>> -> memref<100000x1024xf32, #tpu.memory_space<hbm>>
      tpu.wait_indirect_dma semaphore(%arg11 : memref<!tpu.dma_semaphore, #tpu.memory_space<semaphore_mem>>) src(%dma_wait3A_247 : memref<100000x1024xf32, #tpu.memory_space<hbm>>) dst(%dma_wait3A_242 : memref<8x1024xf32, #tpu.memory_space<vmem>>)
      %dma_wait3A_248 = arith.constant 0 : i32
      %dma_wait3A_249 = arith.constant 0 : i32
      %dma_wait3A_250 = tpu.memref_slice %arg6[%dma_wait3A_248, %dma_wait3A_249] : memref<64x1024xf32, #tpu.memory_space<vmem>> -> memref<8x1024xf32, #tpu.memory_space<vmem>>
      %dma_wait3A_251 = arith.constant 0 : i32
      %dma_wait3A_252 = tpu.memref_slice %arg5[%dma_wait3A_251] : memref<512xi32, #tpu.memory_space<vmem>> -> memref<8xi32, #tpu.memory_space<vmem>>
      %dma_wait3A_253 = arith.constant 0 : i32
      %dma_wait3A_254 = arith.constant 0 : i32
      %dma_wait3A_255 = tpu.memref_slice %arg2[%dma_wait3A_253, %dma_wait3A_254] : memref<100000x1024xf32, #tpu.memory_space<hbm>> -> memref<100000x1024xf32, #tpu.memory_space<hbm>>
      tpu.wait_indirect_dma semaphore(%arg12 : memref<!tpu.dma_semaphore, #tpu.memory_space<semaphore_mem>>) src(%dma_wait3A_255 : memref<100000x1024xf32, #tpu.memory_space<hbm>>) dst(%dma_wait3A_250 : memref<8x1024xf32, #tpu.memory_space<vmem>>)
      %mul3A_256 = arith.constant 8 : i32
      %mul3A_257 = arith.muli %add3A_239, %mul3A_256 : i32
      %add3A_258 = arith.addi %mul3A_2, %mul3A_257 : i32
      %multiple_of3A_259 = tpu.assume_multiple %add3A_258, 8 : i32
      %dma_start3A_260 = arith.constant 32 : i32
      %dma_start3A_261 = arith.constant 0 : i32
      %dma_start3A_262 = tpu.memref_slice %arg6[%dma_start3A_260, %dma_start3A_261] : memref<64x1024xf32, #tpu.memory_space<vmem>> -> memref<16x1024xf32, #tpu.memory_space<vmem>>
      %dma_start3A_263 = arith.constant 0 : i32
      %dma_start3A_264 = tpu.memref_slice %arg4[%multiple_of3A_259, %dma_start3A_263] : memref<16384x1024xf32, #tpu.memory_space<hbm>> -> memref<16x1024xf32, #tpu.memory_space<hbm>>
      %dma_start3A_265 = arith.constant 0 : i32
      %dma_start3A_266 = tpu.memref_slice %arg4[%multiple_of3A_259, %dma_start3A_265] : memref<16384x1024xf32, #tpu.memory_space<hbm>> -> memref<16x1024xf32, #tpu.memory_space<hbm>>
      %dma_start3A_267 = arith.constant 32 : i32
      %dma_start3A_268 = arith.constant 0 : i32
      %dma_start3A_269 = tpu.memref_slice %arg6[%dma_start3A_267, %dma_start3A_268] : memref<64x1024xf32, #tpu.memory_space<vmem>> -> memref<16x1024xf32, #tpu.memory_space<vmem>>
      tpu.enqueue_dma source(%dma_start3A_269 : memref<16x1024xf32, #tpu.memory_space<vmem>>) target(%dma_start3A_266 : memref<16x1024xf32, #tpu.memory_space<hbm>>) target_semaphore(%arg17 : memref<!tpu.dma_semaphore, #tpu.memory_space<semaphore_mem>>)
      %add3A_270 = arith.constant 8 : i32
      %add3A_271 = arith.addi %add3A_239, %add3A_270 : i32
      %lt3A_272 = arith.constant 64 : i32
      %lt3A_273 = arith.cmpi slt, %add3A_271, %lt3A_272 : i32
      %convert_element_type3A_274 = arith.extui %lt3A_273 : i1 to i32
      %cond3A_275 = arith.constant 0 : i32
      %cond3A_276 = arith.cmpi ne, %convert_element_type3A_274, %cond3A_275 : i32
      scf.if %cond3A_276 {
        %dma_wait3A_317 = arith.constant 0 : i32
        %dma_wait3A_318 = arith.constant 0 : i32
        %dma_wait3A_319 = tpu.memref_slice %arg6[%dma_wait3A_317, %dma_wait3A_318] : memref<64x1024xf32, #tpu.memory_space<vmem>> -> memref<16x1024xf32, #tpu.memory_space<vmem>>
        %dma_wait3A_320 = arith.constant 0 : i32
        %dma_wait3A_321 = arith.constant 0 : i32
        %dma_wait3A_322 = tpu.memref_slice %arg4[%dma_wait3A_320, %dma_wait3A_321] : memref<16384x1024xf32, #tpu.memory_space<hbm>> -> memref<16x1024xf32, #tpu.memory_space<hbm>>
        %dma_wait3A_323 = arith.constant 0 : i32
        %dma_wait3A_324 = arith.constant 0 : i32
        %dma_wait3A_325 = tpu.memref_slice %arg4[%dma_wait3A_323, %dma_wait3A_324] : memref<16384x1024xf32, #tpu.memory_space<hbm>> -> memref<16x1024xf32, #tpu.memory_space<hbm>>
        %dma_wait3A_326 = arith.constant 0 : i32
        %dma_wait3A_327 = arith.constant 0 : i32
        %dma_wait3A_328 = tpu.memref_slice %arg6[%dma_wait3A_326, %dma_wait3A_327] : memref<64x1024xf32, #tpu.memory_space<vmem>> -> memref<16x1024xf32, #tpu.memory_space<vmem>>
        tpu.wait_dma2 semaphore(%arg17 : memref<!tpu.dma_semaphore, #tpu.memory_space<semaphore_mem>>) src(%dma_wait3A_328 : memref<16x1024xf32, #tpu.memory_space<vmem>>) dst(%dma_wait3A_325 : memref<16x1024xf32, #tpu.memory_space<hbm>>)
        %add3A_329 = arith.constant 0 : i32
        %add3A_330 = arith.addi %add3A_271, %add3A_329 : i32
        %mul3A_331 = arith.constant 8 : i32
        %mul3A_332 = arith.muli %add3A_330, %mul3A_331 : i32
        %multiple_of3A_333 = tpu.assume_multiple %mul3A_332, 8 : i32
        %dma_start3A_334 = arith.constant 32 : i32
        %dma_start3A_335 = arith.constant 0 : i32
        %dma_start3A_336 = tpu.memref_slice %arg6[%dma_start3A_334, %dma_start3A_335] : memref<64x1024xf32, #tpu.memory_space<vmem>> -> memref<8x1024xf32, #tpu.memory_space<vmem>>
        %dma_start3A_337 = tpu.memref_slice %arg5[%multiple_of3A_333] : memref<512xi32, #tpu.memory_space<vmem>> -> memref<8xi32, #tpu.memory_space<vmem>>
        %dma_start3A_338 = arith.constant 0 : i32
        %dma_start3A_339 = arith.constant 0 : i32
        %dma_start3A_340 = tpu.memref_slice %arg2[%dma_start3A_338, %dma_start3A_339] : memref<100000x1024xf32, #tpu.memory_space<hbm>> -> memref<100000x1024xf32, #tpu.memory_space<hbm>>
        tpu.enqueue_indirect_dma source(%dma_start3A_340 : memref<100000x1024xf32, #tpu.memory_space<hbm>>) target(%dma_start3A_336 : memref<8x1024xf32, #tpu.memory_space<vmem>>) offsets(%dma_start3A_337 : memref<8xi32, #tpu.memory_space<vmem>>) semaphore(%arg11 : memref<!tpu.dma_semaphore, #tpu.memory_space<semaphore_mem>>)
        %add3A_341 = arith.constant 1 : i32
        %add3A_342 = arith.addi %add3A_271, %add3A_341 : i32
        %mul3A_343 = arith.constant 8 : i32
        %mul3A_344 = arith.muli %add3A_342, %mul3A_343 : i32
        %multiple_of3A_345 = tpu.assume_multiple %mul3A_344, 8 : i32
        %dma_start3A_346 = arith.constant 40 : i32
        %dma_start3A_347 = arith.constant 0 : i32
        %dma_start3A_348 = tpu.memref_slice %arg6[%dma_start3A_346, %dma_start3A_347] : memref<64x1024xf32, #tpu.memory_space<vmem>> -> memref<8x1024xf32, #tpu.memory_space<vmem>>
        %dma_start3A_349 = tpu.memref_slice %arg5[%multiple_of3A_345] : memref<512xi32, #tpu.memory_space<vmem>> -> memref<8xi32, #tpu.memory_space<vmem>>
        %dma_start3A_350 = arith.constant 0 : i32
        %dma_start3A_351 = arith.constant 0 : i32
        %dma_start3A_352 = tpu.memref_slice %arg2[%dma_start3A_350, %dma_start3A_351] : memref<100000x1024xf32, #tpu.memory_space<hbm>> -> memref<100000x1024xf32, #tpu.memory_space<hbm>>
        tpu.enqueue_indirect_dma source(%dma_start3A_352 : memref<100000x1024xf32, #tpu.memory_space<hbm>>) target(%dma_start3A_348 : memref<8x1024xf32, #tpu.memory_space<vmem>>) offsets(%dma_start3A_349 : memref<8xi32, #tpu.memory_space<vmem>>) semaphore(%arg12 : memref<!tpu.dma_semaphore, #tpu.memory_space<semaphore_mem>>)
      } else {
      }
      %add3A_277 = arith.constant 6 : i32
      %add3A_278 = arith.addi %mul3A_161, %add3A_277 : i32
      %dma_wait3A_279 = arith.constant 0 : i32
      %dma_wait3A_280 = arith.constant 0 : i32
      %dma_wait3A_281 = tpu.memref_slice %arg6[%dma_wait3A_279, %dma_wait3A_280] : memref<64x1024xf32, #tpu.memory_space<vmem>> -> memref<8x1024xf32, #tpu.memory_space<vmem>>
      %dma_wait3A_282 = arith.constant 0 : i32
      %dma_wait3A_283 = tpu.memref_slice %arg5[%dma_wait3A_282] : memref<512xi32, #tpu.memory_space<vmem>> -> memref<8xi32, #tpu.memory_space<vmem>>
      %dma_wait3A_284 = arith.constant 0 : i32
      %dma_wait3A_285 = arith.constant 0 : i32
      %dma_wait3A_286 = tpu.memref_slice %arg2[%dma_wait3A_284, %dma_wait3A_285] : memref<100000x1024xf32, #tpu.memory_space<hbm>> -> memref<100000x1024xf32, #tpu.memory_space<hbm>>
      tpu.wait_indirect_dma semaphore(%arg13 : memref<!tpu.dma_semaphore, #tpu.memory_space<semaphore_mem>>) src(%dma_wait3A_286 : memref<100000x1024xf32, #tpu.memory_space<hbm>>) dst(%dma_wait3A_281 : memref<8x1024xf32, #tpu.memory_space<vmem>>)
      %dma_wait3A_287 = arith.constant 0 : i32
      %dma_wait3A_288 = arith.constant 0 : i32
      %dma_wait3A_289 = tpu.memref_slice %arg6[%dma_wait3A_287, %dma_wait3A_288] : memref<64x1024xf32, #tpu.memory_space<vmem>> -> memref<8x1024xf32, #tpu.memory_space<vmem>>
      %dma_wait3A_290 = arith.constant 0 : i32
      %dma_wait3A_291 = tpu.memref_slice %arg5[%dma_wait3A_290] : memref<512xi32, #tpu.memory_space<vmem>> -> memref<8xi32, #tpu.memory_space<vmem>>
      %dma_wait3A_292 = arith.constant 0 : i32
      %dma_wait3A_293 = arith.constant 0 : i32
      %dma_wait3A_294 = tpu.memref_slice %arg2[%dma_wait3A_292, %dma_wait3A_293] : memref<100000x1024xf32, #tpu.memory_space<hbm>> -> memref<100000x1024xf32, #tpu.memory_space<hbm>>
      tpu.wait_indirect_dma semaphore(%arg14 : memref<!tpu.dma_semaphore, #tpu.memory_space<semaphore_mem>>) src(%dma_wait3A_294 : memref<100000x1024xf32, #tpu.memory_space<hbm>>) dst(%dma_wait3A_289 : memref<8x1024xf32, #tpu.memory_space<vmem>>)
      %mul3A_295 = arith.constant 8 : i32
      %mul3A_296 = arith.muli %add3A_278, %mul3A_295 : i32
      %add3A_297 = arith.addi %mul3A_2, %mul3A_296 : i32
      %multiple_of3A_298 = tpu.assume_multiple %add3A_297, 8 : i32
      %dma_start3A_299 = arith.constant 48 : i32
      %dma_start3A_300 = arith.constant 0 : i32
      %dma_start3A_301 = tpu.memref_slice %arg6[%dma_start3A_299, %dma_start3A_300] : memref<64x1024xf32, #tpu.memory_space<vmem>> -> memref<16x1024xf32, #tpu.memory_space<vmem>>
      %dma_start3A_302 = arith.constant 0 : i32
      %dma_start3A_303 = tpu.memref_slice %arg4[%multiple_of3A_298, %dma_start3A_302] : memref<16384x1024xf32, #tpu.memory_space<hbm>> -> memref<16x1024xf32, #tpu.memory_space<hbm>>
      %dma_start3A_304 = arith.constant 0 : i32
      %dma_start3A_305 = tpu.memref_slice %arg4[%multiple_of3A_298, %dma_start3A_304] : memref<16384x1024xf32, #tpu.memory_space<hbm>> -> memref<16x1024xf32, #tpu.memory_space<hbm>>
      %dma_start3A_306 = arith.constant 48 : i32
      %dma_start3A_307 = arith.constant 0 : i32
      %dma_start3A_308 = tpu.memref_slice %arg6[%dma_start3A_306, %dma_start3A_307] : memref<64x1024xf32, #tpu.memory_space<vmem>> -> memref<16x1024xf32, #tpu.memory_space<vmem>>
      tpu.enqueue_dma source(%dma_start3A_308 : memref<16x1024xf32, #tpu.memory_space<vmem>>) target(%dma_start3A_305 : memref<16x1024xf32, #tpu.memory_space<hbm>>) target_semaphore(%arg18 : memref<!tpu.dma_semaphore, #tpu.memory_space<semaphore_mem>>)
      %add3A_309 = arith.constant 8 : i32
      %add3A_310 = arith.addi %add3A_278, %add3A_309 : i32
      %lt3A_311 = arith.constant 64 : i32
      %lt3A_312 = arith.cmpi slt, %add3A_310, %lt3A_311 : i32
      %convert_element_type3A_313 = arith.extui %lt3A_312 : i1 to i32
      %cond3A_314 = arith.constant 0 : i32
      %cond3A_315 = arith.cmpi ne, %convert_element_type3A_313, %cond3A_314 : i32
      scf.if %cond3A_315 {
        %dma_wait3A_317 = arith.constant 0 : i32
        %dma_wait3A_318 = arith.constant 0 : i32
        %dma_wait3A_319 = tpu.memref_slice %arg6[%dma_wait3A_317, %dma_wait3A_318] : memref<64x1024xf32, #tpu.memory_space<vmem>> -> memref<16x1024xf32, #tpu.memory_space<vmem>>
        %dma_wait3A_320 = arith.constant 0 : i32
        %dma_wait3A_321 = arith.constant 0 : i32
        %dma_wait3A_322 = tpu.memref_slice %arg4[%dma_wait3A_320, %dma_wait3A_321] : memref<16384x1024xf32, #tpu.memory_space<hbm>> -> memref<16x1024xf32, #tpu.memory_space<hbm>>
        %dma_wait3A_323 = arith.constant 0 : i32
        %dma_wait3A_324 = arith.constant 0 : i32
        %dma_wait3A_325 = tpu.memref_slice %arg4[%dma_wait3A_323, %dma_wait3A_324] : memref<16384x1024xf32, #tpu.memory_space<hbm>> -> memref<16x1024xf32, #tpu.memory_space<hbm>>
        %dma_wait3A_326 = arith.constant 0 : i32
        %dma_wait3A_327 = arith.constant 0 : i32
        %dma_wait3A_328 = tpu.memref_slice %arg6[%dma_wait3A_326, %dma_wait3A_327] : memref<64x1024xf32, #tpu.memory_space<vmem>> -> memref<16x1024xf32, #tpu.memory_space<vmem>>
        tpu.wait_dma2 semaphore(%arg18 : memref<!tpu.dma_semaphore, #tpu.memory_space<semaphore_mem>>) src(%dma_wait3A_328 : memref<16x1024xf32, #tpu.memory_space<vmem>>) dst(%dma_wait3A_325 : memref<16x1024xf32, #tpu.memory_space<hbm>>)
        %add3A_329 = arith.constant 0 : i32
        %add3A_330 = arith.addi %add3A_310, %add3A_329 : i32
        %mul3A_331 = arith.constant 8 : i32
        %mul3A_332 = arith.muli %add3A_330, %mul3A_331 : i32
        %multiple_of3A_333 = tpu.assume_multiple %mul3A_332, 8 : i32
        %dma_start3A_334 = arith.constant 48 : i32
        %dma_start3A_335 = arith.constant 0 : i32
        %dma_start3A_336 = tpu.memref_slice %arg6[%dma_start3A_334, %dma_start3A_335] : memref<64x1024xf32, #tpu.memory_space<vmem>> -> memref<8x1024xf32, #tpu.memory_space<vmem>>
        %dma_start3A_337 = tpu.memref_slice %arg5[%multiple_of3A_333] : memref<512xi32, #tpu.memory_space<vmem>> -> memref<8xi32, #tpu.memory_space<vmem>>
        %dma_start3A_338 = arith.constant 0 : i32
        %dma_start3A_339 = arith.constant 0 : i32
        %dma_start3A_340 = tpu.memref_slice %arg2[%dma_start3A_338, %dma_start3A_339] : memref<100000x1024xf32, #tpu.memory_space<hbm>> -> memref<100000x1024xf32, #tpu.memory_space<hbm>>
        tpu.enqueue_indirect_dma source(%dma_start3A_340 : memref<100000x1024xf32, #tpu.memory_space<hbm>>) target(%dma_start3A_336 : memref<8x1024xf32, #tpu.memory_space<vmem>>) offsets(%dma_start3A_337 : memref<8xi32, #tpu.memory_space<vmem>>) semaphore(%arg13 : memref<!tpu.dma_semaphore, #tpu.memory_space<semaphore_mem>>)
        %add3A_341 = arith.constant 1 : i32
        %add3A_342 = arith.addi %add3A_310, %add3A_341 : i32
        %mul3A_343 = arith.constant 8 : i32
        %mul3A_344 = arith.muli %add3A_342, %mul3A_343 : i32
        %multiple_of3A_345 = tpu.assume_multiple %mul3A_344, 8 : i32
        %dma_start3A_346 = arith.constant 56 : i32
        %dma_start3A_347 = arith.constant 0 : i32
        %dma_start3A_348 = tpu.memref_slice %arg6[%dma_start3A_346, %dma_start3A_347] : memref<64x1024xf32, #tpu.memory_space<vmem>> -> memref<8x1024xf32, #tpu.memory_space<vmem>>
        %dma_start3A_349 = tpu.memref_slice %arg5[%multiple_of3A_345] : memref<512xi32, #tpu.memory_space<vmem>> -> memref<8xi32, #tpu.memory_space<vmem>>
        %dma_start3A_350 = arith.constant 0 : i32
        %dma_start3A_351 = arith.constant 0 : i32
        %dma_start3A_352 = tpu.memref_slice %arg2[%dma_start3A_350, %dma_start3A_351] : memref<100000x1024xf32, #tpu.memory_space<hbm>> -> memref<100000x1024xf32, #tpu.memory_space<hbm>>
        tpu.enqueue_indirect_dma source(%dma_start3A_352 : memref<100000x1024xf32, #tpu.memory_space<hbm>>) target(%dma_start3A_348 : memref<8x1024xf32, #tpu.memory_space<vmem>>) offsets(%dma_start3A_349 : memref<8xi32, #tpu.memory_space<vmem>>) semaphore(%arg14 : memref<!tpu.dma_semaphore, #tpu.memory_space<semaphore_mem>>)
      } else {
      }
      %scan3A_316 = arith.constant 0 : i32
      scf.yield %scan3A_316 : i32
    }
    %scan3A_110 = arith.constant 8 : i32
    %dma_wait3A = arith.constant 0 : i32
    %dma_wait3A_111 = arith.constant 0 : i32
    %dma_wait3A_112 = tpu.memref_slice %arg6[%dma_wait3A, %dma_wait3A_111] : memref<64x1024xf32, #tpu.memory_space<vmem>> -> memref<16x1024xf32, #tpu.memory_space<vmem>>
    %dma_wait3A_113 = arith.constant 0 : i32
    %dma_wait3A_114 = arith.constant 0 : i32
    %dma_wait3A_115 = tpu.memref_slice %arg4[%dma_wait3A_113, %dma_wait3A_114] : memref<16384x1024xf32, #tpu.memory_space<hbm>> -> memref<16x1024xf32, #tpu.memory_space<hbm>>
    %dma_wait3A_116 = arith.constant 0 : i32
    %dma_wait3A_117 = arith.constant 0 : i32
    %dma_wait3A_118 = tpu.memref_slice %arg4[%dma_wait3A_116, %dma_wait3A_117] : memref<16384x1024xf32, #tpu.memory_space<hbm>> -> memref<16x1024xf32, #tpu.memory_space<hbm>>
    %dma_wait3A_119 = arith.constant 0 : i32
    %dma_wait3A_120 = arith.constant 0 : i32
    %dma_wait3A_121 = tpu.memref_slice %arg6[%dma_wait3A_119, %dma_wait3A_120] : memref<64x1024xf32, #tpu.memory_space<vmem>> -> memref<16x1024xf32, #tpu.memory_space<vmem>>
    tpu.wait_dma2 semaphore(%arg15 : memref<!tpu.dma_semaphore, #tpu.memory_space<semaphore_mem>>) src(%dma_wait3A_121 : memref<16x1024xf32, #tpu.memory_space<vmem>>) dst(%dma_wait3A_118 : memref<16x1024xf32, #tpu.memory_space<hbm>>)
    %dma_wait3A_122 = arith.constant 0 : i32
    %dma_wait3A_123 = arith.constant 0 : i32
    %dma_wait3A_124 = tpu.memref_slice %arg6[%dma_wait3A_122, %dma_wait3A_123] : memref<64x1024xf32, #tpu.memory_space<vmem>> -> memref<16x1024xf32, #tpu.memory_space<vmem>>
    %dma_wait3A_125 = arith.constant 0 : i32
    %dma_wait3A_126 = arith.constant 0 : i32
    %dma_wait3A_127 = tpu.memref_slice %arg4[%dma_wait3A_125, %dma_wait3A_126] : memref<16384x1024xf32, #tpu.memory_space<hbm>> -> memref<16x1024xf32, #tpu.memory_space<hbm>>
    %dma_wait3A_128 = arith.constant 0 : i32
    %dma_wait3A_129 = arith.constant 0 : i32
    %dma_wait3A_130 = tpu.memref_slice %arg4[%dma_wait3A_128, %dma_wait3A_129] : memref<16384x1024xf32, #tpu.memory_space<hbm>> -> memref<16x1024xf32, #tpu.memory_space<hbm>>
    %dma_wait3A_131 = arith.constant 0 : i32
    %dma_wait3A_132 = arith.constant 0 : i32
    %dma_wait3A_133 = tpu.memref_slice %arg6[%dma_wait3A_131, %dma_wait3A_132] : memref<64x1024xf32, #tpu.memory_space<vmem>> -> memref<16x1024xf32, #tpu.memory_space<vmem>>
    tpu.wait_dma2 semaphore(%arg16 : memref<!tpu.dma_semaphore, #tpu.memory_space<semaphore_mem>>) src(%dma_wait3A_133 : memref<16x1024xf32, #tpu.memory_space<vmem>>) dst(%dma_wait3A_130 : memref<16x1024xf32, #tpu.memory_space<hbm>>)
    %dma_wait3A_134 = arith.constant 0 : i32
    %dma_wait3A_135 = arith.constant 0 : i32
    %dma_wait3A_136 = tpu.memref_slice %arg6[%dma_wait3A_134, %dma_wait3A_135] : memref<64x1024xf32, #tpu.memory_space<vmem>> -> memref<16x1024xf32, #tpu.memory_space<vmem>>
    %dma_wait3A_137 = arith.constant 0 : i32
    %dma_wait3A_138 = arith.constant 0 : i32
    %dma_wait3A_139 = tpu.memref_slice %arg4[%dma_wait3A_137, %dma_wait3A_138] : memref<16384x1024xf32, #tpu.memory_space<hbm>> -> memref<16x1024xf32, #tpu.memory_space<hbm>>
    %dma_wait3A_140 = arith.constant 0 : i32
    %dma_wait3A_141 = arith.constant 0 : i32
    %dma_wait3A_142 = tpu.memref_slice %arg4[%dma_wait3A_140, %dma_wait3A_141] : memref<16384x1024xf32, #tpu.memory_space<hbm>> -> memref<16x1024xf32, #tpu.memory_space<hbm>>
    %dma_wait3A_143 = arith.constant 0 : i32
    %dma_wait3A_144 = arith.constant 0 : i32
    %dma_wait3A_145 = tpu.memref_slice %arg6[%dma_wait3A_143, %dma_wait3A_144] : memref<64x1024xf32, #tpu.memory_space<vmem>> -> memref<16x1024xf32, #tpu.memory_space<vmem>>
    tpu.wait_dma2 semaphore(%arg17 : memref<!tpu.dma_semaphore, #tpu.memory_space<semaphore_mem>>) src(%dma_wait3A_145 : memref<16x1024xf32, #tpu.memory_space<vmem>>) dst(%dma_wait3A_142 : memref<16x1024xf32, #tpu.memory_space<hbm>>)
    %dma_wait3A_146 = arith.constant 0 : i32
    %dma_wait3A_147 = arith.constant 0 : i32
    %dma_wait3A_148 = tpu.memref_slice %arg6[%dma_wait3A_146, %dma_wait3A_147] : memref<64x1024xf32, #tpu.memory_space<vmem>> -> memref<16x1024xf32, #tpu.memory_space<vmem>>
    %dma_wait3A_149 = arith.constant 0 : i32
    %dma_wait3A_150 = arith.constant 0 : i32
    %dma_wait3A_151 = tpu.memref_slice %arg4[%dma_wait3A_149, %dma_wait3A_150] : memref<16384x1024xf32, #tpu.memory_space<hbm>> -> memref<16x1024xf32, #tpu.memory_space<hbm>>
    %dma_wait3A_152 = arith.constant 0 : i32
    %dma_wait3A_153 = arith.constant 0 : i32
    %dma_wait3A_154 = tpu.memref_slice %arg4[%dma_wait3A_152, %dma_wait3A_153] : memref<16384x1024xf32, #tpu.memory_space<hbm>> -> memref<16x1024xf32, #tpu.memory_space<hbm>>
    %dma_wait3A_155 = arith.constant 0 : i32
    %dma_wait3A_156 = arith.constant 0 : i32
    %dma_wait3A_157 = tpu.memref_slice %arg6[%dma_wait3A_155, %dma_wait3A_156] : memref<64x1024xf32, #tpu.memory_space<vmem>> -> memref<16x1024xf32, #tpu.memory_space<vmem>>
    tpu.wait_dma2 semaphore(%arg18 : memref<!tpu.dma_semaphore, #tpu.memory_space<semaphore_mem>>) src(%dma_wait3A_157 : memref<16x1024xf32, #tpu.memory_space<vmem>>) dst(%dma_wait3A_154 : memref<16x1024xf32, #tpu.memory_space<hbm>>)
    return
  }
}

</mosaic_0001>

<sc_bundles>
// kernel: kernel.3.cloned.1.call-start
scs
__scs_entry_jumppad:
0x0: {  	(pc) =	sbr.rel $0x88, $3  }
0x1: {  	(tag) =	ssettag $0x0;
	lr =	simm.s32 $0x1  }
0x2: {  	[smem:$0x3F9F] =	sst lr;
	_ =	strace $0xD0000000  }
0x3: {  	_ = 	snop  }
0x4: {  	_ = 	snop  }
0x5: {  	_ = 	snop  }
0x6: {  	_ = 	snop  }
0x7: {  	_ = 	snop  }
__scs_overlays_trampoline_lowered:
0x8: {  	[smem:$0x3FAE] =	sst s0  }
0x9: {  	[smem:$0x3FAF] =	sst s1  }
0xa: {  	[smem:$0x3FB0] =	sst s2  }
0xb: {  	[smem:$0x3FB1] =	sst s3  }
0xc: {  	[smem:$0x3FB2] =	sst s4  }
0xd: {  	[smem:$0x3FB3] =	sst s5  }
0xe: {  	[smem:$0x3FB4] =	sst s6  }
0xf: {  	[smem:$0x3FB5] =	sst s7  }
0x10: {  	[smem:$0x3FB6] =	sst s8  }
0x11: {  	[smem:$0x3FB7] =	sst s9;
	s0 =	simm.s32 @!p0 $0x0  }
0x12: {  	s1 =	sld [smem:$0x3F9D];
	s0 =	simm.s32 @p0 $0x1  }
0x13: {  	[smem:$0x3FB8] =	sst s0;
	s0 =	simm.s32 @!p1 $0x0  }
0x14: {  	s2 =	sld [smem:$0x3F9C];
	s0 =	simm.s32 @p1 $0x1  }
0x15: {  	[smem:$0x3FB9] =	sst s0;
	s0 =	simm.s32 @!p2 $0x0  }
0x16: {  	s3 =	sld [smem:$0x3FDB];
	s0 =	simm.s32 @p2 $0x1  }
0x17: {  	s4 =	simm.s32 $0x1BF5;
	[smem:$0x3FBB] =	sst s0  }
0x18: {  	s0 =	sld [smem:$0x3F9E];
	_ =	swait.ge [sflag:s4], $0x0  }
0x19: {  	s7 =	sld [smem:$0x3F9F]  }
0x1a: {  	s8 =	sadd.s32 $0xFFFFE003, lr  }
0x1b: {  	s9 =	sadd.s32 $0xFFFFFEF7, lr;
	s5 =	simm.s32 $0xFFFFFFFF;
	p2 =	slt.u32 s8, $0xFFFFF086  }
0x1c: {  	p1 =	slt.u32 s9, $0xF7A;
	s5 =	simm.s32 @!p2 $0x0  }
0x1d: {  	s5 =	simm.s32 @p1 $0x1;
	p0 =	seq.s32 s7, s2  }
0x1e: {  	s7 =	smul.u32 @!p0 $0xF7A, s2;
	p2 =	seq.s32 @!p0 s5, $0x0  }
0x1f: {  	s9 =	smul.u32 $0xF7A, s1;
	s8 =	simm.s32 @!p0 $0x1BF5;
	p2 =	por !p2, p0  }
0x20: {  	[sflag:s8] =	ssyncset.s32 @!p0 $0xFFFFF086;
	s6 =	sadd.s32 @!p0 s3, s7;
	s7 =	simm.s32 @!p0 $0x108  }
0x21: {  	s3 =	sadd.s32 s3, s9;
	s6 =	sadd.s32 @!p0 $0x88, s6;
	s7 =	simm.s32 @p2 $0x1082  }
0x22: {  	[simem:s7], [sflag:s8] =	dma.local @!p0 [hbm:s6], $0xF7A  }
0x23: {  	s9 =	sor.u32 $0xD0000000, s2;
	s6 =	simm.s32 $0x108;
	_ =	swait.ge @!p0 [sflag:s8], $0x0  }
0x24: {  	s3 =	sadd.s32 $0x88, s3;
	s6 =	simm.s32 @!p1 $0x1082;
	[sflag:s4] =	ssyncset.s32 $0xFFFFF086  }
0x25: {  	[simem:s6], [sflag:s4] =	dma.local [hbm:s3], $0xF7A  }
0x26: {  	[smem:$0x3F9F] =	sst s1;
	(tag) =	ssettag s2;
	_ =	strace s9  }
0x27: {  	s1 =	sld [smem:$0x3FAF]  }
0x28: {  	s2 =	sld [smem:$0x3FB0]  }
0x29: {  	s4 =	sld [smem:$0x3FB2]  }
0x2a: {  	p0 =	seq.s32 s5, $0x0;
	s5 =	sld [smem:$0x3FB3]  }
0x2b: {  	s6 =	sld [smem:$0x3FB4]  }
0x2c: {  	s7 =	sld [smem:$0x3FB5]  }
0x2d: {  	s3 =	simm.s32 $0x108;
	s8 =	sld [smem:$0x3FB6]  }
0x2e: {  	s3 =	simm.s32 @!p0 $0x1082;
	s9 =	sld [smem:$0x3FB7]  }
0x2f: {  	lr =	sadd.s32 s0, s3;
	s0 =	sld [smem:$0x3FAE]  }
0x30: {  	s3 =	sld [smem:$0x3FB1]  }
0x31: {  	[smem:$0x3FBA] =	sst s10  }
0x32: {  	s10 =	sld [smem:$0x3FB8];
	_ =	sdelay $0x3  }
0x33: {  	p0 =	seq.s32 s10, $0x1;
	s10 =	sld [smem:$0x3FBA];
	_ =	sdelay $0x3  }
0x34: {  	[smem:$0x3FBA] =	sst s10  }
0x35: {  	s10 =	sld [smem:$0x3FB9];
	_ =	sdelay $0x3  }
0x36: {  	p1 =	seq.s32 s10, $0x1;
	s10 =	sld [smem:$0x3FBA];
	_ =	sdelay $0x3  }
0x37: {  	[smem:$0x3FBA] =	sst s10  }
0x38: {  	s10 =	sld [smem:$0x3FBB]  }
0x39: {  	_ = 	snop;
	(pc) =	sbr.ind lr, $3  }
0x3a: {  	_ = 	snop  }
0x3b: {  	_ = 	snop  }
0x3c: {  	p2 =	seq.s32 s10, $0x1;
	s10 =	sld [smem:$0x3FBA]  }
0x3d: {  	_ =	shalt  }
0x3e: {  	_ =	shalt  }
0x3f: {  	_ =	shalt  }
0x40: {  	_ =	shalt  }
0x41: {  	_ =	shalt  }
0x42: {  	_ =	shalt  }
0x43: {  	_ =	shalt  }
0x44: {  	_ =	shalt  }
0x45: {  	_ =	shalt  }
0x46: {  	_ =	shalt  }
0x47: {  	_ =	shalt  }
0x48: {  	_ =	shalt  }
0x49: {  	_ =	shalt  }
0x4a: {  	_ =	shalt  }
0x4b: {  	_ =	shalt  }
0x4c: {  	_ =	shalt  }
0x4d: {  	_ =	shalt  }
0x4e: {  	_ =	shalt  }
0x4f: {  	_ =	shalt  }
0x50: {  	_ =	shalt  }
0x51: {  	_ =	shalt  }
0x52: {  	_ =	shalt  }
0x53: {  	_ =	shalt  }
0x54: {  	_ =	shalt  }
0x55: {  	_ =	shalt  }
0x56: {  	_ =	shalt  }
0x57: {  	_ =	shalt  }
0x58: {  	_ =	shalt  }
0x59: {  	_ =	shalt  }
0x5a: {  	_ =	shalt  }
0x5b: {  	_ =	shalt  }
0x5c: {  	_ =	shalt  }
0x5d: {  	_ =	shalt  }
0x5e: {  	_ =	shalt  }
0x5f: {  	_ =	shalt  }
0x60: {  	_ =	shalt  }
0x61: {  	_ =	shalt  }
0x62: {  	_ =	shalt  }
0x63: {  	_ =	shalt  }
0x64: {  	_ =	shalt  }
0x65: {  	_ =	shalt  }
0x66: {  	_ =	shalt  }
0x67: {  	_ =	shalt  }
0x68: {  	_ =	shalt  }
0x69: {  	_ =	shalt  }
0x6a: {  	_ =	shalt  }
0x6b: {  	_ =	shalt  }
0x6c: {  	_ =	shalt  }
0x6d: {  	_ =	shalt  }
0x6e: {  	_ =	shalt  }
0x6f: {  	_ =	shalt  }
0x70: {  	_ =	shalt  }
0x71: {  	_ =	shalt  }
0x72: {  	_ =	shalt  }
0x73: {  	_ =	shalt  }
0x74: {  	_ =	shalt  }
0x75: {  	_ =	shalt  }
0x76: {  	_ =	shalt  }
0x77: {  	_ =	shalt  }
0x78: {  	_ =	shalt  }
0x79: {  	_ =	shalt  }
0x7a: {  	_ =	shalt  }
0x7b: {  	_ =	shalt  }
0x7c: {  	_ =	shalt  }
0x7d: {  	_ =	shalt  }
0x7e: {  	_ =	shalt  }
0x7f: {  	_ =	shalt  }
0x80: {  	_ =	shalt  }
0x81: {  	_ =	shalt  }
0x82: {  	_ =	shalt  }
0x83: {  	_ =	shalt  }
0x84: {  	_ =	shalt  }
0x85: {  	_ =	shalt  }
0x86: {  	_ =	shalt  }
0x87: {  	_ =	shalt  }
.Lfunc_end0:
.L_simem_size_0:
called_computation_lowered:
.L_overlay_start_0:
0x88: {  	s2 =	sld [smem:$0x3FD9]  }
0x89: {  	s3 =	sld [smem:$0x3FFE];
	_ =	sdelay $0x1  }
0x8a: {  	s1 =	srdreg.scid  }
0x8b: {  	s0 =	sand.u32 $0x1, s1  }
0x8c: {  	s18 =	sshll.u32 s0, $0xA;
	s2 =	sadd.s32 s3, s2  }
0x8d: {  	s2 =	sadd.s32 s2, s18  }
0x8e: {  	[smem:$0x3FC6] =	sst s2  }
0x8f: {  	_ = 	snop  }
0x90: {  	s2 =	sld [smem:$0x3FC9]  }
0x91: {  	s19 =	sld [smem:$0x3FC8]  }
0x92: {  	s4 =	sld [smem:$0x3FD0];
	(tm) =	ssettm $0x1  }
0x93: {  	s5 =	sld [smem:$0x3FFB];
	_ =	sdelay $0x3  }
0x94: {  	_ =	strace s5  }
0x95: {  	s5 =	sld [smem:$0x3FFC];
	_ =	sdelay $0x3  }
0x96: {  	_ =	strace s5  }
0x97: {  	s5 =	sld [smem:$0x3FFD];
	_ =	sdelay $0x3  }
0x98: {  	_ =	strace s5  }
0x99: {  	_ =	strace $0x8FFFFFFF  }
0x9a: {  	s20 =	sld [smem:$0x3FDB];
	_ =	sdelay $0x1  }
0x9b: {  	s6 =	simm.s32 $_scs_section_size  }
0x9c: {  	s7 =	simm.s32 $_size__tile_overlayer_lowered;
	s8 =	simm.s32 $_tile_overlayer_lowered  }
0x9d: {  	s23 =	simm.s32 $0x1BFF;
	s22 =	sshll.u32 s8, $0x1;
	s5 =	sadd.s32 s6, s20  }
0x9e: {  	s9 =	simm.s32 $0x0;
	s21 =	sshll.u32 s7, $0x1;
	s7 =	sadd.s32 s22, s5  }
0x9f: {  	[timem:s9], [sflag:s23] =	dma.local [hbm:s7], s21  }
0xa0: {  	_ =	swait.ge [sflag:s23], s21  }
0xa1: {  	s6 =	ssub.s32 $0x0, s21;
	[sflag:s23] =	ssyncset.done $0x0  }
0xa2: {  	[sflag:s23] =	ssyncadd.s32 s6;
	_ =	sdelay $0x1  }
0xa3: {  	s24 =	simm.s32 $0x1B8B  }
0xa4: {  	_ =	swait.ge [sflag:s24], $0x1  }
0xa5: {  	[sflag:s24] =	ssyncset.done $0x0  }
0xa6: {  	s25 =	simm.s32 $0x1B8E;
	[sflag:s24] =	ssyncadd.s32 $0xFFFFFFFF  }
0xa7: {  	s26 =	simm.s32 $execute0_lowered;
	[smem:$0x3FD2] =	sst s25  }
0xa8: {  	s6 =	sshll.u32 s26, $0x1;
	_ =	strace $0x80000046;
	[dreg:$0x1] =	wrdreg $0xFFFFFFFF  }
0xa9: {  	s28 =	simm.s32 $_size_execute0_lowered;
	s5 =	sadd.s32 s5, s6;
	[dreg:$0x0] =	wrdreg $0x0  }
0xaa: {  	s6 =	sshll.u32 s28, $0x1;
	[dreg:$0x2] =	wrdreg s5  }
0xab: {  	[dreg:$0x3] =	wrdreg s6  }
0xac: {  	[dreg:$0x4] =	wrdreg $0xC0  }
0xad: {  	_ =	task [dreg:s9], $0x5FFFF  }
0xae: {  	[dreg:$0x1] =	wrdreg $0xFFFFFFFF  }
0xaf: {  	[dreg:$0x0] =	wrdreg $0x60  }
0xb0: {  	[dreg:$0x2] =	wrdreg s19  }
0xb1: {  	[dreg:$0x3] =	wrdreg s2  }
0xb2: {  	[dreg:$0x4] =	wrdreg s4  }
0xb3: {  	[dreg:$0x5] =	wrdreg $0x9  }
0xb4: {  	_ =	task.clear_ibuf [dreg:s9], $0x6FFFF;
	_ =	strace $0x90000046  }
0xb5: {  	s29 =	simm.s32 $0x9;
	_ =	strace $0x80000048  }
0xb6: {  	_ =	swait.ge [sflag:s29], $0x1  }
0xb7: {  	[sflag:s29] =	ssyncadd.s32 $0xFFFFFFFF  }
0xb8: {  	_ =	strace $0x90000048  }
0xb9: {  	_ =	sfence  }
0xba: {  	s30 =	sld [smem:$0x0];
	_ =	sdelay $0x2  }
0xbb: {  	s31 =	sshll.u32 s1, $0xD;
	s1 =	sshrl.u32 s1, $0x2  }
0xbc: {  	s3 =	sand.u32 $0x4000, s31;
	s1 =	sadd.s32 s1, s30  }
0xbd: {  	s0 =	sor.u32 s3, s0;
	s1 =	sshll.u32 s1, $0x11  }
0xbe: {  	s0 =	sor.u32 s1, s0  }
0xbf: {  	s0 =	sadd.s32 $0x8F2B, s0  }
0xc0: {  	[sflag:s0] =	ssyncadd.remote.s32 $0x1  }
0xc1: {  	_ =	sfence.sel $0xFFFF  }
0xc2: {  	[dreg:$0x0] =	wrdreg $0xFFFFFFFF;
	(pc) =	sbr.abs _section_cstart, $3  }
0xc3: {  	[dreg:$0x1] =	wrdreg $0xFFFFFFFF  }
0xc4: {  	_ =	task.clear_ibuf [dreg:s9], $0x2FFFF;
	_ =	strace $0x9FFFFFFF  }
0xc5: {  	(tm) =	ssettm $0x7FFFFFFF  }
tec
execute0_lowered:
.L_overlay_start_1:
0x0: {  	(tag) =	ssettag $0x1  }
0x1: {  	s1 =	rddreg [dreg:$0x0]  }
0x2: {  	s0 =	rddreg [dreg:$0x1]  }
0x3: {  	s2 =	rddreg [dreg:$0x2];
	s3 =	simm.s32 $0x0  }
0x4: {  	s4 =	srdreg.scid;
	s9 =	stileid.u32;
	s11 =	simm.s32 $0x200  }
0x5: {  	s20 =	simm.s32 $0x4200;
	s29 =	simm.s32 $0x8200;
	s15 =	simm.s32 $0xC200  }
0x6: {  	s16 =	simm.s32 $0xCA00;
	s17 =	simm.s32 $0xD200;
	s18 =	simm.s32 $0xDA00  }
0x7: {  	s19 =	simm.s32 $0xE200;
	s21 =	simm.s32 $0xEA00;
	s22 =	simm.s32 $0xF200  }
0x8: {  	s28 =	simm.s32 $0x4;
	s30 =	simm.s32 $0x5;
	s31 =	simm.s32 $0x6  }
0x9: {  	s10 =	simm.s32 $0x0;
	[smem:$0x7FF] =	sst s3;
	s4 =	sand.u32 $0x1, s4  }
0xa: {  	s5 =	sshll.u32 s9, $0x9;
	s7 =	sshll.u32 s9, $0x2;
	s25 =	sshll.u32 s9, $0x11  }
0xb: {  	_ =	strace $0x80000047;
	s6 =	sshll.u32 s4, $0x8;
	s8 =	ssub.s32 $0x2, s4  }
0xc: {  	s23 =	sand.u32 $0x30, s7;
	s7 =	sadd.s32 $0x300, s1;
	s26 =	sshll.u32 s4, $0x10  }
0xd: {  	s4 =	simm.s32 $0xC;
	s5 =	sor.u32 s6, s5;
	s24 =	sshrl.u32 s8, $0x1  }
0xe: {  	s0 =	sadd.s32 s0, s23;
	s6 =	sadd.s32 $0x200, s1;
	s5 =	sand.u32 $0x700, s5  }
.Ltmp0:
0xf: {  	s8 =	ssub.s32 s8, s24;
	s0 =	sadd.s32 s5, s0;
	(pc) =	sbr.rel .LBB2_1-.Ltmp0, $4  }
0x10: {  	s23 =	simm.s32 $0xFA00;
	s8 =	smax.u32 s8, $0x1;
	[dreg:$0x4] =	wrdreg s0  }
0x11: {  	v0 =	vlaneseq.u32;
	s24 =	simm.s32 $0x1;
	s5 =	sadd.s32 $0x100, s1;
	[dreg:$0x5] =	wrdreg s8  }
0x12: {  	v1 =	vshrl.u32 v0, $0x3;
	s0 =	sadd.s32 s25, s2;
	s25 =	simm.s32 $0x2;
	s2 =	simm.s32 $0x8  }
0x13: {  	vm0 =	vmmov $0xffff;
	v0 =	vand.u32 $0x7, v0;
	v1 =	vmul.u32 $0x8, v1;
	s9 =	sadd.s32 s26, s0;
	s26 =	simm.s32 $0x3;
	s0 =	simm.s32 $0x7  }
.LBB2_4:
0x14: {  	s8 =	simm.s32 $0x9  }
0x15: {  	_ =	swait.ge [sflag:s8], $0x4000  }
0x16: {  	[sflag:s8] =	ssyncset.done $0x0  }
0x17: {  	s12 =	simm.s32 $0xA;
	[sflag:s8] =	ssyncadd.s32 $0xFFFFC000  }
0x18: {  	_ =	swait.ge [sflag:s12], $0x4000  }
0x19: {  	[sflag:s12] =	ssyncset.done $0x0  }
0x1a: {  	s13 =	simm.s32 $0xB;
	[sflag:s12] =	ssyncadd.s32 $0xFFFFC000  }
0x1b: {  	_ =	swait.ge [sflag:s13], $0x4000  }
0x1c: {  	[sflag:s13] =	ssyncset.done $0x0  }
0x1d: {  	[sflag:s13] =	ssyncadd.s32 $0xFFFFC000  }
0x1e: {  	_ =	swait.ge [sflag:s4], $0x4000  }
0x1f: {  	s10 =	rddreg [dreg:$0x6]  }
0x20: {  	s14 =	rddreg [dreg:$0x5];
	s10 =	sadd.s32 $0x1, s10  }
0x21: {  	p0 =	sne.s32 s10, s14  }
.Ltmp1:
0x22: {  	_ = 	snop;
	(pc) =	sbr.rel @!p0 .LBB2_5-.Ltmp1, $3  }
0x23: {  	_ =	sdelay $0x1  }
0x24: {  	[sflag:s4] =	ssyncset.done $0x0  }
0x25: {  	[sflag:s4] =	ssyncadd.s32 $0xFFFFC000  }
.LBB2_1:
0x26: {  	[dreg:$0x6] =	wrdreg s10  }
0x27: {  	s8 =	rddreg [dreg:$0x4];
	s12 =	simm.s32 $0x80;
	s13 =	simm.s32 $0xD  }
0x28: {  	[tilespmem:s3], [sflag:$0xD] =	stream.strided.gather [hbm4b:s8+s12], $0x200, s11, s12, $0x38;
	[tilespmem:$0x10200] =	vst v63  }
0x29: {  	_ =	swait.ge [sflag:s13], $0x200  }
0x2a: {  	[sflag:s13] =	ssyncset.done $0x0  }
0x2b: {  	[sflag:s13] =	ssyncadd.s32 $0xFFFFFE00  }
0x2c: {  	v2 =	vld.msk [tilespmem:$0x0], $0xff;
	_ =	sdelay $0x4  }
0x2d: {  	v3 =	vshll.u32 v2, $0x3  }
0x2e: {  	v2 =	vand.u32 $0x7, v2;
	v3 =	vand.u32 $0xFFFFFFC0, v3  }
0x2f: {  	v2 =	vor.u32 v2, v3  }
0x30: {  	v2 =	vperm.xlane v2, v0;
	_ =	sdelay $0x1  }
0x31: {  	v2 =	vadd.s32 v1, v2;
	_ =	sdelay $0x4  }
0x32: {  	[tilespmem:s11], [sflag:$0x1] =	stream.indirect_vreg.gather [hbm4b:s1+s3], $0x80, v2, vm0, $0xb8;
	[tilespmem:$0x10200] =	vst v63  }
0x33: {  	s14 =	simm.s32 $0xA00  }
0x34: {  	[tilespmem:s14], [sflag:$0x1] =	stream.indirect_vreg.gather [hbm4b:s5+s3], $0x80, v2, vm0, $0xb8;
	[tilespmem:$0x10200] =	vst v63  }
0x35: {  	s10 =	simm.s32 $0x1200  }
0x36: {  	[tilespmem:s10], [sflag:$0x1] =	stream.indirect_vreg.gather [hbm4b:s6+s3], $0x80, v2, vm0, $0xb8;
	[tilespmem:$0x10200] =	vst v63  }
0x37: {  	s12 =	simm.s32 $0x1A00  }
0x38: {  	[tilespmem:s12], [sflag:$0x1] =	stream.indirect_vreg.gather [hbm4b:s7+s3], $0x80, v2, vm0, $0xb8;
	[tilespmem:$0x10200] =	vst v63  }
0x39: {  	v2 =	vld.msk [tilespmem:$0x8], $0xff;
	_ =	sdelay $0x4  }
0x3a: {  	v3 =	vshll.u32 v2, $0x3  }
0x3b: {  	v2 =	vand.u32 $0x7, v2;
	v3 =	vand.u32 $0xFFFFFFC0, v3  }
0x3c: {  	v2 =	vor.u32 v2, v3  }
0x3d: {  	v2 =	vperm.xlane v2, v0;
	_ =	sdelay $0x1  }
0x3e: {  	v2 =	vadd.s32 v1, v2;
	_ =	sdelay $0x3  }
0x3f: {  	s13 =	simm.s32 $0x2200  }
0x40: {  	[tilespmem:s13], [sflag:$0x2] =	stream.indirect_vreg.gather [hbm4b:s1+s3], $0x80, v2, vm0, $0xb8;
	[tilespmem:$0x10200] =	vst v63  }
0x41: {  	s14 =	simm.s32 $0x2A00  }
0x42: {  	[tilespmem:s14], [sflag:$0x2] =	stream.indirect_vreg.gather [hbm4b:s5+s3], $0x80, v2, vm0, $0xb8;
	[tilespmem:$0x10200] =	vst v63  }
0x43: {  	s10 =	simm.s32 $0x3200  }
0x44: {  	[tilespmem:s10], [sflag:$0x2] =	stream.indirect_vreg.gather [hbm4b:s6+s3], $0x80, v2, vm0, $0xb8;
	[tilespmem:$0x10200] =	vst v63  }
0x45: {  	s12 =	simm.s32 $0x3A00  }
0x46: {  	[tilespmem:s12], [sflag:$0x2] =	stream.indirect_vreg.gather [hbm4b:s7+s3], $0x80, v2, vm0, $0xb8;
	[tilespmem:$0x10200] =	vst v63  }
0x47: {  	v2 =	vld.msk [tilespmem:$0x10], $0xff;
	_ =	sdelay $0x4  }
0x48: {  	v3 =	vshll.u32 v2, $0x3  }
0x49: {  	v2 =	vand.u32 $0x7, v2;
	v3 =	vand.u32 $0xFFFFFFC0, v3  }
0x4a: {  	v2 =	vor.u32 v2, v3  }
0x4b: {  	v2 =	vperm.xlane v2, v0;
	_ =	sdelay $0x1  }
0x4c: {  	v2 =	vadd.s32 v1, v2;
	_ =	sdelay $0x4  }
0x4d: {  	[tilespmem:s20], [sflag:$0x3] =	stream.indirect_vreg.gather [hbm4b:s1+s3], $0x80, v2, vm0, $0xb8;
	[tilespmem:$0x10200] =	vst v63  }
0x4e: {  	s13 =	simm.s32 $0x4A00  }
0x4f: {  	[tilespmem:s13], [sflag:$0x3] =	stream.indirect_vreg.gather [hbm4b:s5+s3], $0x80, v2, vm0, $0xb8;
	[tilespmem:$0x10200] =	vst v63  }
0x50: {  	s14 =	simm.s32 $0x5200  }
0x51: {  	[tilespmem:s14], [sflag:$0x3] =	stream.indirect_vreg.gather [hbm4b:s6+s3], $0x80, v2, vm0, $0xb8;
	[tilespmem:$0x10200] =	vst v63  }
0x52: {  	s10 =	simm.s32 $0x5A00  }
0x53: {  	[tilespmem:s10], [sflag:$0x3] =	stream.indirect_vreg.gather [hbm4b:s7+s3], $0x80, v2, vm0, $0xb8;
	[tilespmem:$0x10200] =	vst v63  }
0x54: {  	v2 =	vld.msk [tilespmem:$0x18], $0xff;
	_ =	sdelay $0x4  }
0x55: {  	v3 =	vshll.u32 v2, $0x3  }
0x56: {  	v2 =	vand.u32 $0x7, v2;
	v3 =	vand.u32 $0xFFFFFFC0, v3  }
0x57: {  	v2 =	vor.u32 v2, v3  }
0x58: {  	v2 =	vperm.xlane v2, v0;
	_ =	sdelay $0x1  }
0x59: {  	v2 =	vadd.s32 v1, v2;
	_ =	sdelay $0x3  }
0x5a: {  	s12 =	simm.s32 $0x6200  }
0x5b: {  	[tilespmem:s12], [sflag:$0x4] =	stream.indirect_vreg.gather [hbm4b:s1+s3], $0x80, v2, vm0, $0xb8;
	[tilespmem:$0x10200] =	vst v63  }
0x5c: {  	s13 =	simm.s32 $0x6A00  }
0x5d: {  	[tilespmem:s13], [sflag:$0x4] =	stream.indirect_vreg.gather [hbm4b:s5+s3], $0x80, v2, vm0, $0xb8;
	[tilespmem:$0x10200] =	vst v63  }
0x5e: {  	s14 =	simm.s32 $0x7200  }
0x5f: {  	[tilespmem:s14], [sflag:$0x4] =	stream.indirect_vreg.gather [hbm4b:s6+s3], $0x80, v2, vm0, $0xb8;
	[tilespmem:$0x10200] =	vst v63  }
0x60: {  	s10 =	simm.s32 $0x7A00  }
0x61: {  	[tilespmem:s10], [sflag:$0x4] =	stream.indirect_vreg.gather [hbm4b:s7+s3], $0x80, v2, vm0, $0xb8;
	[tilespmem:$0x10200] =	vst v63  }
0x62: {  	v2 =	vld.msk [tilespmem:$0x20], $0xff;
	_ =	sdelay $0x4  }
0x63: {  	v3 =	vshll.u32 v2, $0x3  }
0x64: {  	v2 =	vand.u32 $0x7, v2;
	v3 =	vand.u32 $0xFFFFFFC0, v3  }
0x65: {  	v2 =	vor.u32 v2, v3  }
0x66: {  	v2 =	vperm.xlane v2, v0;
	_ =	sdelay $0x1  }
0x67: {  	v2 =	vadd.s32 v1, v2;
	_ =	sdelay $0x4  }
0x68: {  	[tilespmem:s29], [sflag:$0x5] =	stream.indirect_vreg.gather [hbm4b:s1+s3], $0x80, v2, vm0, $0xb8;
	[tilespmem:$0x10200] =	vst v63  }
0x69: {  	s12 =	simm.s32 $0x8A00  }
0x6a: {  	[tilespmem:s12], [sflag:$0x5] =	stream.indirect_vreg.gather [hbm4b:s5+s3], $0x80, v2, vm0, $0xb8;
	[tilespmem:$0x10200] =	vst v63  }
0x6b: {  	s13 =	simm.s32 $0x9200  }
0x6c: {  	[tilespmem:s13], [sflag:$0x5] =	stream.indirect_vreg.gather [hbm4b:s6+s3], $0x80, v2, vm0, $0xb8;
	[tilespmem:$0x10200] =	vst v63  }
0x6d: {  	s14 =	simm.s32 $0x9A00  }
0x6e: {  	[tilespmem:s14], [sflag:$0x5] =	stream.indirect_vreg.gather [hbm4b:s7+s3], $0x80, v2, vm0, $0xb8;
	[tilespmem:$0x10200] =	vst v63  }
0x6f: {  	v2 =	vld.msk [tilespmem:$0x28], $0xff;
	_ =	sdelay $0x4  }
0x70: {  	v3 =	vshll.u32 v2, $0x3  }
0x71: {  	v2 =	vand.u32 $0x7, v2;
	v3 =	vand.u32 $0xFFFFFFC0, v3  }
0x72: {  	v2 =	vor.u32 v2, v3  }
0x73: {  	v2 =	vperm.xlane v2, v0;
	_ =	sdelay $0x1  }
0x74: {  	v2 =	vadd.s32 v1, v2;
	_ =	sdelay $0x3  }
0x75: {  	s10 =	simm.s32 $0xA200  }
0x76: {  	[tilespmem:s10], [sflag:$0x6] =	stream.indirect_vreg.gather [hbm4b:s1+s3], $0x80, v2, vm0, $0xb8;
	[tilespmem:$0x10200] =	vst v63  }
0x77: {  	s12 =	simm.s32 $0xAA00  }
0x78: {  	[tilespmem:s12], [sflag:$0x6] =	stream.indirect_vreg.gather [hbm4b:s5+s3], $0x80, v2, vm0, $0xb8;
	[tilespmem:$0x10200] =	vst v63  }
0x79: {  	s13 =	simm.s32 $0xB200  }
0x7a: {  	[tilespmem:s13], [sflag:$0x6] =	stream.indirect_vreg.gather [hbm4b:s6+s3], $0x80, v2, vm0, $0xb8;
	[tilespmem:$0x10200] =	vst v63  }
0x7b: {  	s14 =	simm.s32 $0xBA00  }
0x7c: {  	[tilespmem:s14], [sflag:$0x6] =	stream.indirect_vreg.gather [hbm4b:s7+s3], $0x80, v2, vm0, $0xb8;
	[tilespmem:$0x10200] =	vst v63  }
0x7d: {  	v2 =	vld.msk [tilespmem:$0x30], $0xff;
	_ =	sdelay $0x4  }
0x7e: {  	v3 =	vshll.u32 v2, $0x3  }
0x7f: {  	v2 =	vand.u32 $0x7, v2;
	v3 =	vand.u32 $0xFFFFFFC0, v3  }
0x80: {  	v2 =	vor.u32 v2, v3  }
0x81: {  	v2 =	vperm.xlane v2, v0;
	_ =	sdelay $0x1  }
0x82: {  	v2 =	vadd.s32 v1, v2;
	_ =	sdelay $0x4  }
0x83: {  	[tilespmem:s15], [sflag:$0x7] =	stream.indirect_vreg.gather [hbm4b:s1+s3], $0x80, v2, vm0, $0xb8;
	[tilespmem:$0x10200] =	vst v63  }
0x84: {  	_ = 	snop  }
0x85: {  	[tilespmem:s16], [sflag:$0x7] =	stream.indirect_vreg.gather [hbm4b:s5+s3], $0x80, v2, vm0, $0xb8;
	[tilespmem:$0x10200] =	vst v63  }
0x86: {  	_ = 	snop  }
0x87: {  	[tilespmem:s17], [sflag:$0x7] =	stream.indirect_vreg.gather [hbm4b:s6+s3], $0x80, v2, vm0, $0xb8;
	[tilespmem:$0x10200] =	vst v63  }
0x88: {  	_ = 	snop  }
0x89: {  	[tilespmem:s18], [sflag:$0x7] =	stream.indirect_vreg.gather [hbm4b:s7+s3], $0x80, v2, vm0, $0xb8;
	[tilespmem:$0x10200] =	vst v63  }
0x8a: {  	v2 =	vld.msk [tilespmem:$0x38], $0xff;
	_ =	sdelay $0x4  }
0x8b: {  	v3 =	vshll.u32 v2, $0x3  }
0x8c: {  	v2 =	vand.u32 $0x7, v2;
	v3 =	vand.u32 $0xFFFFFFC0, v3  }
0x8d: {  	v2 =	vor.u32 v2, v3  }
0x8e: {  	v2 =	vperm.xlane v2, v0;
	_ =	sdelay $0x1  }
0x8f: {  	v2 =	vadd.s32 v1, v2;
	_ =	sdelay $0x4  }
0x90: {  	[tilespmem:s19], [sflag:$0x8] =	stream.indirect_vreg.gather [hbm4b:s1+s3], $0x80, v2, vm0, $0xb8;
	[tilespmem:$0x10200] =	vst v63  }
0x91: {  	_ = 	snop  }
0x92: {  	[tilespmem:s21], [sflag:$0x8] =	stream.indirect_vreg.gather [hbm4b:s5+s3], $0x80, v2, vm0, $0xb8;
	[tilespmem:$0x10200] =	vst v63  }
0x93: {  	_ = 	snop  }
0x94: {  	[tilespmem:s22], [sflag:$0x8] =	stream.indirect_vreg.gather [hbm4b:s6+s3], $0x80, v2, vm0, $0xb8;
	[tilespmem:$0x10200] =	vst v63  }
0x95: {  	s10 =	simm.s32 $0x0;
	s12 =	simm.s32 $0x78  }
0x96: {  	[tilespmem:s23], [sflag:$0x8] =	stream.indirect_vreg.gather [hbm4b:s7+s3], $0x80, v2, vm0, $0xb8;
	[tilespmem:$0x10200] =	vst v63  }
.LBB2_2:
0x97: {  	_ =	swait.ge [sflag:s24], $0x2000  }
0x98: {  	[sflag:s24] =	ssyncset.done $0x0  }
0x99: {  	[sflag:s24] =	ssyncadd.s32 $0xFFFFE000  }
0x9a: {  	_ =	swait.ge [sflag:s25], $0x2000  }
0x9b: {  	p0 =	seq.s32 s10, $0xE000;
	[sflag:s25] =	ssyncset.done $0x0  }
0x9c: {  	s13 =	sadd.s32 s10, s9;
	s14 =	simm.s32 @!p0 $0x9;
	[sflag:s25] =	ssyncadd.s32 $0xFFFFE000  }
0x9d: {  	[hbm4b:s13+s3] =	stream.linear.scatter [tilespmem:s11], [sflag:$0x9], $0x4000, $0x38;
	[tilespmem:$0x10200] =	vst v63  }
0x9e: {  	_ =	swait.ge @!p0 [sflag:s14], $0x4000  }
0x9f: {  	[sflag:s14] =	ssyncset.done @!p0 $0x0  }
0xa0: {  	[sflag:s14] =	ssyncadd.s32 @!p0 $0xFFFFC000  }
0xa1: {  	v2 =	vld.msk @!p0 [tilespmem:s12+$0xFFFFFFC8], $0xff;
	_ =	sdelay $0x4  }
0xa2: {  	v3 =	vshll.u32 @!p0 v2, $0x3  }
0xa3: {  	v4 =	vlaneseq.u32 @!p0;
	v2 =	vand.u32 @!p0 $0x7, v2;
	v3 =	vand.u32 @!p0 $0xFFFFFFC0, v3  }
0xa4: {  	v2 =	vor.u32 @!p0 v2, v3;
	v3 =	vand.u32 @!p0 $0x7, v4;
	v4 =	vshrl.u32 @!p0 v4, $0x3  }
0xa5: {  	v2 =	vperm.xlane @!p0 v2, v3;
	v4 =	vmul.u32 @!p0 $0x8, v4;
	_ =	sdelay $0x1  }
0xa6: {  	v2 =	vadd.s32 @!p0 v4, v2;
	_ =	sdelay $0x3  }
0xa7: {  	vm1 =	vmmov @!p0 $0xffff;
	s8 =	simm.s32 @!p0 $0x200;
	s14 =	simm.s32 @!p0 $0x0  }
0xa8: {  	[tilespmem:s8], [sflag:$0x1] =	stream.indirect_vreg.gather @!p0 [hbm4b:s1+s14], $0x80, v2, vm1, $0xb8;
	[tilespmem:$0x10200] =	vst v63  }
0xa9: {  	s8 =	simm.s32 @!p0 $0xA00  }
0xaa: {  	[tilespmem:s8], [sflag:$0x1] =	stream.indirect_vreg.gather @!p0 [hbm4b:s5+s14], $0x80, v2, vm1, $0xb8;
	[tilespmem:$0x10200] =	vst v63  }
0xab: {  	s8 =	simm.s32 @!p0 $0x1200  }
0xac: {  	[tilespmem:s8], [sflag:$0x1] =	stream.indirect_vreg.gather @!p0 [hbm4b:s6+s14], $0x80, v2, vm1, $0xb8;
	[tilespmem:$0x10200] =	vst v63  }
0xad: {  	s8 =	simm.s32 @!p0 $0x1A00  }
0xae: {  	[tilespmem:s8], [sflag:$0x1] =	stream.indirect_vreg.gather @!p0 [hbm4b:s7+s14], $0x80, v2, vm1, $0xb8;
	[tilespmem:$0x10200] =	vst v63  }
0xaf: {  	v2 =	vld.msk @!p0 [tilespmem:s12+$0xFFFFFFD0], $0xff;
	_ =	sdelay $0x4  }
0xb0: {  	v5 =	vshll.u32 @!p0 v2, $0x3  }
0xb1: {  	v2 =	vand.u32 @!p0 $0x7, v2;
	v5 =	vand.u32 @!p0 $0xFFFFFFC0, v5  }
0xb2: {  	v2 =	vor.u32 @!p0 v2, v5  }
0xb3: {  	v2 =	vperm.xlane @!p0 v2, v3;
	_ =	sdelay $0x1  }
0xb4: {  	v2 =	vadd.s32 @!p0 v4, v2;
	_ =	sdelay $0x3  }
0xb5: {  	s8 =	simm.s32 @!p0 $0x2200  }
0xb6: {  	[tilespmem:s8], [sflag:$0x2] =	stream.indirect_vreg.gather @!p0 [hbm4b:s1+s14], $0x80, v2, vm1, $0xb8;
	[tilespmem:$0x10200] =	vst v63  }
0xb7: {  	s8 =	simm.s32 @!p0 $0x2A00  }
0xb8: {  	[tilespmem:s8], [sflag:$0x2] =	stream.indirect_vreg.gather @!p0 [hbm4b:s5+s14], $0x80, v2, vm1, $0xb8;
	[tilespmem:$0x10200] =	vst v63  }
0xb9: {  	s8 =	simm.s32 @!p0 $0x3200  }
0xba: {  	[tilespmem:s8], [sflag:$0x2] =	stream.indirect_vreg.gather @!p0 [hbm4b:s6+s14], $0x80, v2, vm1, $0xb8;
	[tilespmem:$0x10200] =	vst v63  }
0xbb: {  	s8 =	simm.s32 @!p0 $0x3A00  }
0xbc: {  	[tilespmem:s8], [sflag:$0x2] =	stream.indirect_vreg.gather @!p0 [hbm4b:s7+s14], $0x80, v2, vm1, $0xb8;
	[tilespmem:$0x10200] =	vst v63  }
0xbd: {  	_ =	swait.ge [sflag:s26], $0x2000  }
0xbe: {  	[sflag:s26] =	ssyncset.done $0x0  }
0xbf: {  	[sflag:s26] =	ssyncadd.s32 $0xFFFFE000  }
0xc0: {  	_ =	swait.ge [sflag:s28], $0x2000  }
0xc1: {  	[sflag:s28] =	ssyncset.done $0x0  }
0xc2: {  	s8 =	sadd.s32 $0x800, s13;
	[sflag:s28] =	ssyncadd.s32 $0xFFFFE000  }
0xc3: {  	[hbm4b:s8+s3] =	stream.linear.scatter [tilespmem:s20], [sflag:$0xA], $0x4000, $0x38;
	[tilespmem:$0x10200] =	vst v63  }
0xc4: {  	s8 =	simm.s32 @!p0 $0xA  }
0xc5: {  	_ =	swait.ge @!p0 [sflag:s8], $0x4000  }
0xc6: {  	[sflag:s8] =	ssyncset.done @!p0 $0x0  }
0xc7: {  	[sflag:s8] =	ssyncadd.s32 @!p0 $0xFFFFC000  }
0xc8: {  	v2 =	vld.msk @!p0 [tilespmem:s12+$0xFFFFFFD8], $0xff;
	_ =	sdelay $0x4  }
0xc9: {  	v5 =	vshll.u32 @!p0 v2, $0x3  }
0xca: {  	v2 =	vand.u32 @!p0 $0x7, v2;
	v5 =	vand.u32 @!p0 $0xFFFFFFC0, v5  }
0xcb: {  	v2 =	vor.u32 @!p0 v2, v5  }
0xcc: {  	v2 =	vperm.xlane @!p0 v2, v3;
	_ =	sdelay $0x1  }
0xcd: {  	v2 =	vadd.s32 @!p0 v4, v2;
	_ =	sdelay $0x3  }
0xce: {  	s8 =	simm.s32 @!p0 $0x4200  }
0xcf: {  	[tilespmem:s8], [sflag:$0x3] =	stream.indirect_vreg.gather @!p0 [hbm4b:s1+s14], $0x80, v2, vm1, $0xb8;
	[tilespmem:$0x10200] =	vst v63  }
0xd0: {  	s8 =	simm.s32 @!p0 $0x4A00  }
0xd1: {  	[tilespmem:s8], [sflag:$0x3] =	stream.indirect_vreg.gather @!p0 [hbm4b:s5+s14], $0x80, v2, vm1, $0xb8;
	[tilespmem:$0x10200] =	vst v63  }
0xd2: {  	s8 =	simm.s32 @!p0 $0x5200  }
0xd3: {  	[tilespmem:s8], [sflag:$0x3] =	stream.indirect_vreg.gather @!p0 [hbm4b:s6+s14], $0x80, v2, vm1, $0xb8;
	[tilespmem:$0x10200] =	vst v63  }
0xd4: {  	s8 =	simm.s32 @!p0 $0x5A00  }
0xd5: {  	[tilespmem:s8], [sflag:$0x3] =	stream.indirect_vreg.gather @!p0 [hbm4b:s7+s14], $0x80, v2, vm1, $0xb8;
	[tilespmem:$0x10200] =	vst v63  }
0xd6: {  	v2 =	vld.msk @!p0 [tilespmem:s12+$0xFFFFFFE0], $0xff;
	_ =	sdelay $0x4  }
0xd7: {  	v5 =	vshll.u32 @!p0 v2, $0x3  }
0xd8: {  	v2 =	vand.u32 @!p0 $0x7, v2;
	v5 =	vand.u32 @!p0 $0xFFFFFFC0, v5  }
0xd9: {  	v2 =	vor.u32 @!p0 v2, v5  }
0xda: {  	v2 =	vperm.xlane @!p0 v2, v3;
	_ =	sdelay $0x1  }
0xdb: {  	v2 =	vadd.s32 @!p0 v4, v2;
	_ =	sdelay $0x3  }
0xdc: {  	s8 =	simm.s32 @!p0 $0x6200  }
0xdd: {  	[tilespmem:s8], [sflag:$0x4] =	stream.indirect_vreg.gather @!p0 [hbm4b:s1+s14], $0x80, v2, vm1, $0xb8;
	[tilespmem:$0x10200] =	vst v63  }
0xde: {  	s8 =	simm.s32 @!p0 $0x6A00  }
0xdf: {  	[tilespmem:s8], [sflag:$0x4] =	stream.indirect_vreg.gather @!p0 [hbm4b:s5+s14], $0x80, v2, vm1, $0xb8;
	[tilespmem:$0x10200] =	vst v63  }
0xe0: {  	s8 =	simm.s32 @!p0 $0x7200  }
0xe1: {  	[tilespmem:s8], [sflag:$0x4] =	stream.indirect_vreg.gather @!p0 [hbm4b:s6+s14], $0x80, v2, vm1, $0xb8;
	[tilespmem:$0x10200] =	vst v63  }
0xe2: {  	s8 =	simm.s32 @!p0 $0x7A00  }
0xe3: {  	[tilespmem:s8], [sflag:$0x4] =	stream.indirect_vreg.gather @!p0 [hbm4b:s7+s14], $0x80, v2, vm1, $0xb8;
	[tilespmem:$0x10200] =	vst v63  }
0xe4: {  	_ =	swait.ge [sflag:s30], $0x2000  }
0xe5: {  	[sflag:s30] =	ssyncset.done $0x0  }
0xe6: {  	[sflag:s30] =	ssyncadd.s32 $0xFFFFE000  }
0xe7: {  	_ =	swait.ge [sflag:s31], $0x2000  }
0xe8: {  	[sflag:s31] =	ssyncset.done $0x0  }
0xe9: {  	s8 =	sadd.s32 $0x1000, s13;
	[sflag:s31] =	ssyncadd.s32 $0xFFFFE000  }
0xea: {  	[hbm4b:s8+s3] =	stream.linear.scatter [tilespmem:s29], [sflag:$0xB], $0x4000, $0x38;
	[tilespmem:$0x10200] =	vst v63  }
0xeb: {  	s8 =	simm.s32 @!p0 $0xB  }
0xec: {  	_ =	swait.ge @!p0 [sflag:s8], $0x4000  }
0xed: {  	[sflag:s8] =	ssyncset.done @!p0 $0x0  }
0xee: {  	[sflag:s8] =	ssyncadd.s32 @!p0 $0xFFFFC000  }
0xef: {  	v2 =	vld.msk @!p0 [tilespmem:s12+$0xFFFFFFE8], $0xff;
	_ =	sdelay $0x4  }
0xf0: {  	v5 =	vshll.u32 @!p0 v2, $0x3  }
0xf1: {  	v2 =	vand.u32 @!p0 $0x7, v2;
	v5 =	vand.u32 @!p0 $0xFFFFFFC0, v5  }
0xf2: {  	v2 =	vor.u32 @!p0 v2, v5  }
0xf3: {  	v2 =	vperm.xlane @!p0 v2, v3;
	_ =	sdelay $0x1  }
0xf4: {  	v2 =	vadd.s32 @!p0 v4, v2;
	_ =	sdelay $0x3  }
0xf5: {  	s8 =	simm.s32 @!p0 $0x8200  }
0xf6: {  	[tilespmem:s8], [sflag:$0x5] =	stream.indirect_vreg.gather @!p0 [hbm4b:s1+s14], $0x80, v2, vm1, $0xb8;
	[tilespmem:$0x10200] =	vst v63  }
0xf7: {  	s8 =	simm.s32 @!p0 $0x8A00  }
0xf8: {  	[tilespmem:s8], [sflag:$0x5] =	stream.indirect_vreg.gather @!p0 [hbm4b:s5+s14], $0x80, v2, vm1, $0xb8;
	[tilespmem:$0x10200] =	vst v63  }
0xf9: {  	s8 =	simm.s32 @!p0 $0x9200  }
0xfa: {  	[tilespmem:s8], [sflag:$0x5] =	stream.indirect_vreg.gather @!p0 [hbm4b:s6+s14], $0x80, v2, vm1, $0xb8;
	[tilespmem:$0x10200] =	vst v63  }
0xfb: {  	s8 =	simm.s32 @!p0 $0x9A00  }
0xfc: {  	[tilespmem:s8], [sflag:$0x5] =	stream.indirect_vreg.gather @!p0 [hbm4b:s7+s14], $0x80, v2, vm1, $0xb8;
	[tilespmem:$0x10200] =	vst v63  }
0xfd: {  	v2 =	vld.msk @!p0 [tilespmem:s12+$0xFFFFFFF0], $0xff;
	_ =	sdelay $0x4  }
0xfe: {  	v5 =	vshll.u32 @!p0 v2, $0x3  }
0xff: {  	v2 =	vand.u32 @!p0 $0x7, v2;
	v5 =	vand.u32 @!p0 $0xFFFFFFC0, v5  }
0x100: {  	v2 =	vor.u32 @!p0 v2, v5  }
0x101: {  	v2 =	vperm.xlane @!p0 v2, v3;
	_ =	sdelay $0x1  }
0x102: {  	v2 =	vadd.s32 @!p0 v4, v2;
	_ =	sdelay $0x3  }
0x103: {  	s8 =	simm.s32 @!p0 $0xA200  }
0x104: {  	[tilespmem:s8], [sflag:$0x6] =	stream.indirect_vreg.gather @!p0 [hbm4b:s1+s14], $0x80, v2, vm1, $0xb8;
	[tilespmem:$0x10200] =	vst v63  }
0x105: {  	s8 =	simm.s32 @!p0 $0xAA00  }
0x106: {  	[tilespmem:s8], [sflag:$0x6] =	stream.indirect_vreg.gather @!p0 [hbm4b:s5+s14], $0x80, v2, vm1, $0xb8;
	[tilespmem:$0x10200] =	vst v63  }
0x107: {  	s8 =	simm.s32 @!p0 $0xB200  }
0x108: {  	[tilespmem:s8], [sflag:$0x6] =	stream.indirect_vreg.gather @!p0 [hbm4b:s6+s14], $0x80, v2, vm1, $0xb8;
	[tilespmem:$0x10200] =	vst v63  }
0x109: {  	s8 =	simm.s32 @!p0 $0xBA00  }
0x10a: {  	[tilespmem:s8], [sflag:$0x6] =	stream.indirect_vreg.gather @!p0 [hbm4b:s7+s14], $0x80, v2, vm1, $0xb8;
	[tilespmem:$0x10200] =	vst v63  }
0x10b: {  	_ =	swait.ge [sflag:s0], $0x2000  }
0x10c: {  	[sflag:s0] =	ssyncset.done $0x0  }
.Ltmp2:
0x10d: {  	[sflag:s0] =	ssyncadd.s32 $0xFFFFE000;
	(pc) =	sbr.rel @p0 .LBB2_4-.Ltmp2, $4  }
0x10e: {  	_ =	swait.ge [sflag:s2], $0x2000  }
0x10f: {  	[sflag:s2] =	ssyncset.done $0x0  }
0x110: {  	s14 =	sadd.s32 $0x1800, s13;
	[sflag:s2] =	ssyncadd.s32 $0xFFFFE000  }
0x111: {  	[hbm4b:s14+s3] =	stream.linear.scatter [tilespmem:s15], [sflag:$0xC], $0x4000, $0x38;
	[tilespmem:$0x10200] =	vst v63  }
0x112: {  	_ =	swait.ge [sflag:s4], $0x4000  }
0x113: {  	[sflag:s4] =	ssyncset.done $0x0  }
0x114: {  	[sflag:s4] =	ssyncadd.s32 $0xFFFFC000  }
0x115: {  	v2 =	vld.msk [tilespmem:s12+$0xFFFFFFF8], $0xff;
	_ =	sdelay $0x4  }
0x116: {  	v3 =	vshll.u32 v2, $0x3  }
0x117: {  	v2 =	vand.u32 $0x7, v2;
	v3 =	vand.u32 $0xFFFFFFC0, v3  }
0x118: {  	v2 =	vor.u32 v2, v3  }
0x119: {  	v2 =	vperm.xlane v2, v0;
	_ =	sdelay $0x1  }
0x11a: {  	v2 =	vadd.s32 v1, v2;
	_ =	sdelay $0x4  }
0x11b: {  	[tilespmem:s15], [sflag:$0x7] =	stream.indirect_vreg.gather [hbm4b:s1+s3], $0x80, v2, vm0, $0xb8;
	[tilespmem:$0x10200] =	vst v63  }
0x11c: {  	_ = 	snop  }
0x11d: {  	[tilespmem:s16], [sflag:$0x7] =	stream.indirect_vreg.gather [hbm4b:s5+s3], $0x80, v2, vm0, $0xb8;
	[tilespmem:$0x10200] =	vst v63  }
0x11e: {  	_ = 	snop  }
0x11f: {  	[tilespmem:s17], [sflag:$0x7] =	stream.indirect_vreg.gather [hbm4b:s6+s3], $0x80, v2, vm0, $0xb8;
	[tilespmem:$0x10200] =	vst v63  }
0x120: {  	_ = 	snop  }
0x121: {  	[tilespmem:s18], [sflag:$0x7] =	stream.indirect_vreg.gather [hbm4b:s7+s3], $0x80, v2, vm0, $0xb8;
	[tilespmem:$0x10200] =	vst v63  }
0x122: {  	v2 =	vld.msk [tilespmem:s12+$0x0], $0xff;
	_ =	sdelay $0x4  }
0x123: {  	v3 =	vshll.u32 v2, $0x3  }
0x124: {  	v2 =	vand.u32 $0x7, v2;
	v3 =	vand.u32 $0xFFFFFFC0, v3  }
0x125: {  	v2 =	vor.u32 v2, v3  }
0x126: {  	v2 =	vperm.xlane v2, v0;
	_ =	sdelay $0x1  }
0x127: {  	v2 =	vadd.s32 v1, v2;
	_ =	sdelay $0x4  }
0x128: {  	[tilespmem:s19], [sflag:$0x8] =	stream.indirect_vreg.gather [hbm4b:s1+s3], $0x80, v2, vm0, $0xb8;
	[tilespmem:$0x10200] =	vst v63  }
0x129: {  	_ = 	snop  }
0x12a: {  	[tilespmem:s21], [sflag:$0x8] =	stream.indirect_vreg.gather [hbm4b:s5+s3], $0x80, v2, vm0, $0xb8;
	[tilespmem:$0x10200] =	vst v63  }
.Ltmp3:
0x12b: {  	_ = 	snop;
	(pc) =	sbr.rel .LBB2_2-.Ltmp3, $4  }
0x12c: {  	_ = 	snop  }
0x12d: {  	[tilespmem:s22], [sflag:$0x8] =	stream.indirect_vreg.gather [hbm4b:s6+s3], $0x80, v2, vm0, $0xb8;
	[tilespmem:$0x10200] =	vst v63  }
0x12e: {  	s10 =	sadd.s32 $0x2000, s10;
	s12 =	sadd.s32 $0x40, s12  }
0x12f: {  	[tilespmem:s23], [sflag:$0x8] =	stream.indirect_vreg.gather [hbm4b:s7+s3], $0x80, v2, vm0, $0xb8;
	[tilespmem:$0x10200] =	vst v63  }
.LBB2_5:
0x130: {  	_ =	sfence.sel $0x180000  }
0x131: {  	[bflag:$0x0] =	sbarrier.arrive $0xFFFF  }
0x132: {  	_ =	strace $0x90000047  }
0x133: {  	s0 =	stileid.u32;
	[bflag:$0x2] =	sbarrier.arrive $0xFFFF  }
0x134: {  	p0 =	sne.s32 s0, $0x0;
	s0 =	rddreg [dreg:$0x3]  }
0x135: {  	s0 =	sadd.s32 @!p0 $0x100000, s0  }
0x136: {  	[sflag:s0] =	ssyncadd.tile.s32 @!p0 $0x1;
	_ =	shalt  }
.Lfunc_end2:
_tile_overlayer_lowered:
.L_overlay_start_2:
0x137: {  	(tag) =	ssettag $0x2  }
0x138: {  	s0 =	rddreg [dreg:$0x0];
	s2 =	stileid.u32  }
0x139: {  	s1 =	rddreg [dreg:$0x1];
	p0 =	sne.s32 s2, $0x0  }
0x13a: {  	s3 =	rddreg [dreg:$0x2];
	[bflag:$0x3] =	sbarrier.arrive $0xFFFF;
	s2 =	simm.s32 @!p0 $0x1C0D  }
0x13b: {  	[timem:s3], [sflag:s2] =	dma.local @!p0 [hbm:s0], s1  }
0x13c: {  	s0 =	simm.s32 @!p0 $0xD  }
0x13d: {  	_ =	swait.ge @!p0 [sflag:s0], s1  }
0x13e: {  	s1 =	ssub.s32 @!p0 $0x0, s1;
	[sflag:s0] =	ssyncset.done @!p0 $0x0  }
0x13f: {  	[sflag:s0] =	ssyncadd.s32 @!p0 s1  }
0x140: {  	[bflag:$0x3] =	sbarrier.arrive $0xFFFF  }
0x141: {  	_ =	shalt  }

</sc_bundles>
